<compile_context>
chip_gen: v7x
topology: tpu7x:2x2x1
jax: 0.10.2.dev20260603
libtpu: 0.0.44.dev20260713+nightly
codegen_flags: <defaults>
</compile_context>

<pallas_src>
import functools

import jax
import jax.numpy as jnp
from jax import lax
from jax.experimental import pallas as pl
from jax.experimental.pallas import tpu as pltpu
from jax.experimental.pallas import tpu_sc as plsc

N = 10000
E = 320000
D = 128
TD = 32
DM = 64
NC = 32
NF = 16

NUM_SC_CORES = 2
NUM_SUBCORES = 16
NW = NUM_SC_CORES * NUM_SUBCORES
CH = E // NW
SEG = CH // 16
LCAP = 8
SLOTS = 16 * LCAP
SCAP = 16
TOT = NW * SCAP
BCAP = 128


def _sc_body(src_hbm, dst_hbm, t_hbm, mask_hbm, lu_hbm, ts_hbm, td_hbm,
             cnt_out, sid_out, gid_out, wts_out, wtd_out, rel_out,
             dst_v, src_v, t_v, mask_v, lu_v, ts_v, td_v,
             ids_v, pfx_v, cnt16_v,
             sids_v, gids_v, wtss_v, wtds_v, rels_v):
    wid = lax.axis_index("s") * NUM_SC_CORES + lax.axis_index("c")
    base = wid * CH

    pltpu.sync_copy(dst_hbm.at[pl.ds(base, CH)], dst_v)
    pltpu.sync_copy(src_hbm.at[pl.ds(base, CH)], src_v)
    pltpu.sync_copy(t_hbm.at[pl.ds(base, CH)], t_v)
    pltpu.sync_copy(mask_hbm.at[pl.ds(base, CH)], mask_v)
    pltpu.sync_copy(lu_hbm, lu_v)
    pltpu.sync_copy(ts_hbm, ts_v)
    pltpu.sync_copy(td_hbm, td_v)

    iota16 = lax.iota(jnp.int32, 16)
    tsv = ts_v[...]
    tdv = td_v[...]
    seg_base = iota16 * SEG
    lane_base = iota16 * LCAP

    def body(i, cnt):
        eid = seg_base + i
        d = plsc.load_gather(dst_v, [eid])
        m = (d == tsv) | (d == tdv)
        pos = lane_base + jnp.minimum(cnt, LCAP - 1)
        plsc.store_scatter(ids_v, [pos], eid, mask=m)
        return cnt + jnp.where(m, 1, 0).astype(jnp.int32)

    cnt = lax.fori_loop(0, SEG, body, jnp.zeros((16,), jnp.int32))
    cl = jnp.minimum(cnt, LCAP)

    pfx = cl
    for k in (1, 2, 4, 8):
        pfx_v[...] = pfx
        sh = plsc.load_gather(pfx_v, [jnp.maximum(iota16 - k, 0)])
        pfx = pfx + jnp.where(iota16 >= k, sh, 0)
    excl = pfx - cl
    pfx_v[...] = pfx
    tot = plsc.load_gather(pfx_v, [jnp.full((16,), 15, jnp.int32)])
    cnt16_v[...] = jnp.minimum(tot, SCAP)
    pltpu.sync_copy(cnt16_v, cnt_out.at[wid])

    zero_i = jnp.zeros((SCAP,), jnp.int32)
    zero_f = jnp.zeros((SCAP,), jnp.float32)
    sids_v[...] = zero_i
    gids_v[...] = zero_i
    wtss_v[...] = zero_f
    wtds_v[...] = zero_f
    rels_v[...] = zero_f

    for b in range(LCAP):
        valid = cnt > b
        ids_raw = plsc.load_gather(ids_v, [lane_base + b])
        ids = jnp.maximum(jnp.minimum(ids_raw, CH - 1), 0)
        d = plsc.load_gather(dst_v, [ids])
        s = plsc.load_gather(src_v, [ids])
        tv = plsc.load_gather(t_v, [ids])
        mv = plsc.load_gather(mask_v, [ids])
        lu = plsc.load_gather(lu_v, [s])
        relv = tv - lu
        msv = 1.0 / (1.0 + jnp.exp(-mv))
        zero = jnp.zeros((16,), jnp.float32)
        wts = jnp.where(valid & (d == tsv), msv, zero)
        wtd = jnp.where(valid & (d == tdv), msv, zero)
        pos = jnp.minimum(excl + b, SCAP - 1)
        plsc.store_scatter(sids_v, [pos], s, mask=valid)
        plsc.store_scatter(gids_v, [pos], base + ids, mask=valid)
        plsc.store_scatter(wtss_v, [pos], wts, mask=valid)
        plsc.store_scatter(wtds_v, [pos], wtd, mask=valid)
        plsc.store_scatter(rels_v, [pos], relv, mask=valid)

    pltpu.sync_copy(sids_v, sid_out.at[pl.ds(wid * SCAP, SCAP)])
    pltpu.sync_copy(gids_v, gid_out.at[pl.ds(wid * SCAP, SCAP)])
    pltpu.sync_copy(wtss_v, wts_out.at[pl.ds(wid * SCAP, SCAP)])
    pltpu.sync_copy(wtds_v, wtd_out.at[pl.ds(wid * SCAP, SCAP)])
    pltpu.sync_copy(rels_v, rel_out.at[pl.ds(wid * SCAP, SCAP)])


_sc_find = functools.partial(
    pl.kernel,
    mesh=plsc.VectorSubcoreMesh(core_axis_name="c", subcore_axis_name="s"),
    compiler_params=pltpu.CompilerParams(
        needs_layout_passes=False, use_tc_tiling_on_sc=False),
    out_type=[
        jax.ShapeDtypeStruct((NW, 16), jnp.int32),
        jax.ShapeDtypeStruct((TOT,), jnp.int32),
        jax.ShapeDtypeStruct((TOT,), jnp.int32),
        jax.ShapeDtypeStruct((TOT,), jnp.float32),
        jax.ShapeDtypeStruct((TOT,), jnp.float32),
        jax.ShapeDtypeStruct((TOT,), jnp.float32),
    ],
    scratch_types=[
        pltpu.VMEM((CH,), jnp.int32),
        pltpu.VMEM((CH,), jnp.int32),
        pltpu.VMEM((CH,), jnp.float32),
        pltpu.VMEM((CH,), jnp.float32),
        pltpu.VMEM((N,), jnp.float32),
        pltpu.VMEM((16,), jnp.int32),
        pltpu.VMEM((16,), jnp.int32),
        pltpu.VMEM((SLOTS,), jnp.int32),
        pltpu.VMEM((16,), jnp.int32),
        pltpu.VMEM((16,), jnp.int32),
        pltpu.VMEM((SCAP,), jnp.int32),
        pltpu.VMEM((SCAP,), jnp.int32),
        pltpu.VMEM((SCAP,), jnp.float32),
        pltpu.VMEM((SCAP,), jnp.float32),
        pltpu.VMEM((SCAP,), jnp.float32),
    ],
)(_sc_body)


def _tc_mask_body(mask_ref, out_ref):
    x = mask_ref[...].reshape(E // 128, 128)
    ms = 1.0 / (1.0 + jnp.exp(-x))
    out_ref[0, 0] = jnp.sum(ms)
    out_ref[0, 1] = jnp.sum(
        ms * jnp.log(ms + 1e-8) + (1.0 - ms) * jnp.log(1.0 - ms + 1e-8))


def _tc_body(sums_ref, cnt_ref, sid_ref, gid_ref, tstd_ref,
             wts_ref, wtd_ref, rel_ref, z_any, msg_any,
             wtime_ref, wz_ref, wt_ref, wm_ref, bmsg_ref, wupd_ref, bupd_ref,
             w1_ref, b1_ref, w2_ref, b2_ref, out_ref,
             ztab, mtab, ztgt, msg0, btab, sem_z, sem_m):
    ztab[...] = jnp.zeros((TOT, D), jnp.float32)
    mtab[...] = jnp.zeros((TOT, DM), jnp.float32)

    c0 = pltpu.make_async_copy(
        z_any.at[pl.ds(tstd_ref[0], 1)], ztgt.at[pl.ds(0, 1)], sem_z)
    c1 = pltpu.make_async_copy(
        z_any.at[pl.ds(tstd_ref[1], 1)], ztgt.at[pl.ds(1, 1)], sem_z)
    cm0 = pltpu.make_async_copy(msg_any.at[:, pl.ds(0, 128)], msg0, sem_m)
    c0.start()
    c1.start()
    cm0.start()

    def outer_start(w, carry):
        c = cnt_ref[w, 0]

        def inner(j, r):
            slot = w * SCAP + j
            s = sid_ref[slot]
            g = gid_ref[slot]
            pltpu.make_async_copy(
                z_any.at[pl.ds(s, 1)], ztab.at[pl.ds(slot, 1)], sem_z).start()

            @pl.when(r < BCAP)
            def _():
                pltpu.make_async_copy(
                    msg_any.at[:, pl.ds((g // 128) * 128, 128)],
                    btab.at[:, pl.ds(r * 128, 128)], sem_m).start()

            return r + jnp.where(r < BCAP, 1, 0)

        return lax.fori_loop(0, c, inner, carry)

    lax.fori_loop(0, NW, outer_start, 0)

    c0.wait()
    c1.wait()
    cm0.wait()

    def outer_wait(w, carry):
        c = cnt_ref[w, 0]

        def inner(j, r):
            slot = w * SCAP + j
            s = sid_ref[slot]
            g = gid_ref[slot]
            pltpu.make_async_copy(
                z_any.at[pl.ds(s, 1)], ztab.at[pl.ds(slot, 1)], sem_z).wait()

            @pl.when(r < BCAP)
            def _():
                pltpu.make_async_copy(
                    msg_any.at[:, pl.ds((g // 128) * 128, 128)],
                    btab.at[:, pl.ds(r * 128, 128)], sem_m).wait()

            return r + jnp.where(r < BCAP, 1, 0)

        return lax.fori_loop(0, c, inner, carry)

    lax.fori_loop(0, NW, outer_wait, 0)

    def outer_ext(w, carry):
        c = cnt_ref[w, 0]

        def inner(j, r):
            slot = w * SCAP + j
            g = gid_ref[slot]

            @pl.when(r < BCAP)
            def _():
                blk = btab[:, pl.ds(r * 128, 128)]
                colv = pltpu.roll(blk, -(g % 128), 1)[:, 0:1]
                mtab[pl.ds(slot, 1), :] = colv.reshape(1, DM)

            return r + jnp.where(r < BCAP, 1, 0)

        return lax.fori_loop(0, c, inner, carry)

    lax.fori_loop(0, NW, outer_ext, 0)

    sum_ms = sums_ref[0, 0]
    ent = sums_ref[0, 1]

    te = jnp.cos(rel_ref[...] * wtime_ref[...])
    m = (jnp.dot(ztab[...], wz_ref[...], preferred_element_type=jnp.float32)
         + jnp.dot(te, wt_ref[...], preferred_element_type=jnp.float32)
         + jnp.dot(mtab[...], wm_ref[...], preferred_element_type=jnp.float32))
    m = jnp.maximum(m + bmsg_ref[...], 0.0)

    agg_s = jnp.dot(wts_ref[...], m, preferred_element_type=jnp.float32)
    agg_d = jnp.dot(wtd_ref[...], m, preferred_element_type=jnp.float32)

    z_s_in = jnp.concatenate([ztgt[0:1, :], agg_s], axis=1)
    z_d_in = jnp.concatenate([ztgt[1:2, :], agg_d], axis=1)
    z_s = jnp.maximum(jnp.dot(z_s_in, wupd_ref[...],
                              preferred_element_type=jnp.float32) + bupd_ref[...], 0.0)
    z_d = jnp.maximum(jnp.dot(z_d_in, wupd_ref[...],
                              preferred_element_type=jnp.float32) + bupd_ref[...], 0.0)

    h = jnp.concatenate([z_s, z_d], axis=1)
    h = jnp.maximum(jnp.dot(h, w1_ref[...],
                            preferred_element_type=jnp.float32) + b1_ref[...], 0.0)
    logits = jnp.dot(h, w2_ref[...],
                     preferred_element_type=jnp.float32) + b2_ref[...]

    col = msg0[:, 0:1]
    iota0 = lax.broadcasted_iota(jnp.int32, (DM, 1), 0)
    inr = (iota0 >= NF) & (iota0 < NF + NC)
    fm = jnp.where(inr, col, -jnp.inf)
    mx = jnp.max(fm)
    lbl = jnp.min(jnp.where((fm == mx) & inr, iota0 - NF, NC))
    iota2 = lax.broadcasted_iota(jnp.int32, (1, NC), 1)
    logit_lbl = jnp.sum(jnp.where(iota2 == lbl, logits, 0.0))

    lm = jnp.max(logits)
    lse = lm + jnp.log(jnp.sum(jnp.exp(logits - lm)))
    loss_pred = lse - logit_lbl

    total = loss_pred + 0.005 * sum_ms - 0.01 * ent
    out_ref[0, 0] = total


def kernel(z_original, last_update, edge_index, subgraph_t, subgraph_msg,
           edge_mask, w_time, W_msg, b_msg, W_upd, b_upd, W1, b1, W2, b2,
           target_src_local, target_dst_local):
    ts = jnp.asarray(target_src_local, jnp.int32)
    td = jnp.asarray(target_dst_local, jnp.int32)
    ts16 = jnp.full((16,), ts, jnp.int32)
    td16 = jnp.full((16,), td, jnp.int32)
    tstd = jnp.stack([ts, td])

    src = edge_index[0]
    dst = edge_index[1]

    cnt, sid, gid, wts, wtd, rel = _sc_find(
        src, dst, subgraph_t, edge_mask, last_update, ts16, td16)

    sums = pl.pallas_call(
        _tc_mask_body,
        out_shape=jax.ShapeDtypeStruct((1, 2), jnp.float32),
        out_specs=pl.BlockSpec(memory_space=pltpu.SMEM),
    )(edge_mask)

    vmem = pl.BlockSpec(memory_space=pltpu.VMEM)
    smem = pl.BlockSpec(memory_space=pltpu.SMEM)
    anym = pl.BlockSpec(memory_space=pl.ANY)

    total = pl.pallas_call(
        _tc_body,
        out_shape=jax.ShapeDtypeStruct((1, 1), jnp.float32),
        in_specs=[smem, smem, smem, smem, smem,
                  vmem, vmem, vmem, anym, anym,
                  vmem, vmem, vmem, vmem, vmem, vmem,
                  vmem, vmem, vmem, vmem, vmem],
        out_specs=smem,
        scratch_shapes=[
            pltpu.VMEM((TOT, D), jnp.float32),
            pltpu.VMEM((TOT, DM), jnp.float32),
            pltpu.VMEM((2, D), jnp.float32),
            pltpu.VMEM((DM, 128), jnp.float32),
            pltpu.VMEM((DM, BCAP * 128), jnp.float32),
            pltpu.SemaphoreType.DMA,
            pltpu.SemaphoreType.DMA,
        ],
    )(
        sums,
        cnt,
        sid,
        gid,
        tstd,
        wts.reshape(1, TOT),
        wtd.reshape(1, TOT),
        rel.reshape(TOT, 1),
        z_original,
        subgraph_msg.T,
        w_time.reshape(1, TD),
        W_msg[:D],
        W_msg[D:D + TD],
        W_msg[D + TD:],
        b_msg.reshape(1, D),
        W_upd,
        b_upd.reshape(1, D),
        W1,
        b1.reshape(1, D),
        W2,
        b2.reshape(1, NC),
    )
    return total[0, 0]

# --- scband reference (transcript-rebuilt; emitter-appended) ---
"""Pipeline reference for scband-temporal-gnnexplainer-52183852646705 (READ-ONLY COPY).

The authoritative reference and input builder live on the scoring server;
editing this copy changes nothing except your own understanding.
"""

import jax, jax.numpy as jnp
import numpy as np

N = 10000
E = 320000
D = 128
TD = 32
DM = 64
NC = 32
NF = 16


def setup_inputs(seed: int = 0) -> dict:
    key = jax.random.key(seed)
    ks = jax.random.split(key, 16)
    z_original = jax.random.normal(ks[0], (N, D), dtype=jnp.float32)
    last_update = jax.random.uniform(ks[1], (N,), dtype=jnp.float32) * 100.0
    edge_index = jax.random.randint(ks[2], (2, E), 0, N, dtype=jnp.int32)
    subgraph_t = jax.random.uniform(ks[3], (E,), dtype=jnp.float32) * 100.0
    subgraph_msg = jax.random.normal(ks[4], (E, DM), dtype=jnp.float32)
    edge_mask = jax.random.uniform(ks[5], (E,), dtype=jnp.float32)
    w_time = jax.random.normal(ks[6], (TD,), dtype=jnp.float32)
    W_msg = jax.random.normal(ks[7], (D + TD + DM, D), dtype=jnp.float32) * 0.05
    b_msg = jnp.zeros((D,), dtype=jnp.float32)
    W_upd = jax.random.normal(ks[8], (2 * D, D), dtype=jnp.float32) * 0.05
    b_upd = jnp.zeros((D,), dtype=jnp.float32)
    W1 = jax.random.normal(ks[9], (2 * D, D), dtype=jnp.float32) * 0.05
    b1 = jnp.zeros((D,), dtype=jnp.float32)
    W2 = jax.random.normal(ks[10], (D, NC), dtype=jnp.float32) * 0.05
    b2 = jnp.zeros((NC,), dtype=jnp.float32)
    return {
        "z_original": z_original,
        "last_update": last_update,
        "edge_index": edge_index,
        "subgraph_t": subgraph_t,
        "subgraph_msg": subgraph_msg,
        "edge_mask": edge_mask,
        "w_time": w_time,
        "W_msg": W_msg,
        "b_msg": b_msg,
        "W_upd": W_upd,
        "b_upd": b_upd,
        "W1": W1,
        "b1": b1,
        "W2": W2,
        "b2": b2,
        "target_src_local": 0,
        "target_dst_local": 1,
    }


def reference(z_original, last_update, edge_index, subgraph_t, subgraph_msg,
              edge_mask, w_time, W_msg, b_msg, W_upd, b_upd, W1, b1, W2, b2,
              target_src_local, target_dst_local):
    src = edge_index[0]
    dst = edge_index[1]
    # edge mask (the explainer's learned parameter)
    ms = jax.nn.sigmoid(edge_mask)
    # temporal GNN layer with edge_weight = mask_sigmoid
    rel_t = subgraph_t - jnp.take(last_update, src, axis=0)
    te = jnp.cos(rel_t[:, None] * w_time[None, :])
    z_src = jnp.take(z_original, src, axis=0)
    m = jnp.concatenate([z_src, te, subgraph_msg], axis=1)
    m = jax.nn.relu(m @ W_msg + b_msg)
    m = m * ms[:, None]
    agg = jnp.zeros_like(z_original).at[dst].add(m)
    z = jax.nn.relu(jnp.concatenate([z_original, agg], axis=1) @ W_upd + b_upd)
    # link predictor on the target (src, dst) pair
    h = jnp.concatenate([z[target_src_local], z[target_dst_local]], axis=0)
    h = jax.nn.relu(h @ W1 + b1)
    logits = h @ W2 + b2
    # target label = argmax of edge features (msg[node_feat_dim:-node_feat_dim])
    edge_feat = subgraph_msg[0, NF:NF + NC]
    label = jnp.argmax(edge_feat)
    # cross-entropy loss
    loss_pred = jax.nn.logsumexp(logits) - logits[label]
    loss_mask = jnp.sum(ms) * 0.005
    loss_entropy = -jnp.sum(ms * jnp.log(ms + 1e-08) + (1.0 - ms) * jnp.log(1.0 - ms + 1e-08)) * 0.01
    total_loss = loss_pred + loss_mask + loss_entropy
    return total_loss

if __name__ == "__main__":
    import jax
    _d = setup_inputs()
    print(jax.jit(kernel)(*tuple(_d.values())))

</pallas_src>

<mosaic_0001>
#map = affine_map<(d0, d1) -> (0)>
#map1 = affine_map<(d0, d1) -> (0, 0)>
module attributes {stable_mosaic.version = 14 : i64} {
  func.func @_sc_body(%arg0: i32, %arg1: i32, %arg2: memref<320000xi32, #tpu.memory_space<hbm>>, %arg3: memref<320000xi32, #tpu.memory_space<hbm>>, %arg4: memref<320000xf32, #tpu.memory_space<hbm>>, %arg5: memref<320000xf32, #tpu.memory_space<hbm>>, %arg6: memref<10000xf32, #tpu.memory_space<hbm>>, %arg7: memref<16xi32, #tpu.memory_space<hbm>>, %arg8: memref<16xi32, #tpu.memory_space<hbm>>, %arg9: memref<32x16xi32, #tpu.memory_space<hbm>>, %arg10: memref<512xi32, #tpu.memory_space<hbm>>, %arg11: memref<512xi32, #tpu.memory_space<hbm>>, %arg12: memref<512xf32, #tpu.memory_space<hbm>>, %arg13: memref<512xf32, #tpu.memory_space<hbm>>, %arg14: memref<512xf32, #tpu.memory_space<hbm>>, %arg15: memref<10000xi32, #tpu.memory_space<vmem>>, %arg16: memref<10000xi32, #tpu.memory_space<vmem>>, %arg17: memref<10000xf32, #tpu.memory_space<vmem>>, %arg18: memref<10000xf32, #tpu.memory_space<vmem>>, %arg19: memref<10000xf32, #tpu.memory_space<vmem>>, %arg20: memref<16xi32, #tpu.memory_space<vmem>>, %arg21: memref<16xi32, #tpu.memory_space<vmem>>, %arg22: memref<128xi32, #tpu.memory_space<vmem>>, %arg23: memref<16xi32, #tpu.memory_space<vmem>>, %arg24: memref<16xi32, #tpu.memory_space<vmem>>, %arg25: memref<16xi32, #tpu.memory_space<vmem>>, %arg26: memref<16xi32, #tpu.memory_space<vmem>>, %arg27: memref<16xf32, #tpu.memory_space<vmem>>, %arg28: memref<16xf32, #tpu.memory_space<vmem>>, %arg29: memref<16xf32, #tpu.memory_space<vmem>>) attributes {dimension_semantics = [#tpu.dimension_semantics<core_parallel>, #tpu.dimension_semantics<subcore_parallel>], iteration_bounds = array<i64: 2, 16>, scalar_prefetch = 0 : i64, scratch_operands = 15 : i64, tpu.core_type = #tpu.core_type<sc_vector_subcore>, window_params = [{transform_indices = #map}, {transform_indices = #map}, {transform_indices = #map}, {transform_indices = #map}, {transform_indices = #map}, {transform_indices = #map}, {transform_indices = #map}, {transform_indices = #map1}, {transform_indices = #map}, {transform_indices = #map}, {transform_indices = #map}, {transform_indices = #map}, {transform_indices = #map}]} {
    %mul3A = arith.constant 2 : i32
    %mul3A_0 = arith.muli %arg1, %mul3A : i32
    %add3A = arith.addi %mul3A_0, %arg0 : i32
    %mul3A_1 = arith.constant 10000 : i32
    %mul3A_2 = arith.muli %add3A, %mul3A_1 : i32
    "tpu.region"() ({
      %run_scoped3A = tpu.sem_alloc : memref<!tpu.dma_semaphore, #tpu.memory_space<semaphore_mem>>
      %dma_start3A = tpu.memref_slice %arg3[%mul3A_2] : memref<320000xi32, #tpu.memory_space<hbm>> -> memref<10000xi32, #tpu.memory_space<hbm>>
      %dma_start3A_466 = tpu.memref_slice %arg3[%mul3A_2] : memref<320000xi32, #tpu.memory_space<hbm>> -> memref<10000xi32, #tpu.memory_space<hbm>>
      tpu.enqueue_dma source(%dma_start3A_466 : memref<10000xi32, #tpu.memory_space<hbm>>) target(%arg15 : memref<10000xi32, #tpu.memory_space<vmem>>) target_semaphore(%run_scoped3A : memref<!tpu.dma_semaphore, #tpu.memory_space<semaphore_mem>>)
      %dma_wait3A = tpu.memref_slice %arg3[%mul3A_2] : memref<320000xi32, #tpu.memory_space<hbm>> -> memref<10000xi32, #tpu.memory_space<hbm>>
      %dma_wait3A_467 = tpu.memref_slice %arg3[%mul3A_2] : memref<320000xi32, #tpu.memory_space<hbm>> -> memref<10000xi32, #tpu.memory_space<hbm>>
      tpu.wait_dma2 semaphore(%run_scoped3A : memref<!tpu.dma_semaphore, #tpu.memory_space<semaphore_mem>>) src(%dma_wait3A_467 : memref<10000xi32, #tpu.memory_space<hbm>>) dst(%arg15 : memref<10000xi32, #tpu.memory_space<vmem>>)
      tpu.yield
    }) : () -> ()
    "tpu.region"() ({
      %run_scoped3A = tpu.sem_alloc : memref<!tpu.dma_semaphore, #tpu.memory_space<semaphore_mem>>
      %dma_start3A = tpu.memref_slice %arg2[%mul3A_2] : memref<320000xi32, #tpu.memory_space<hbm>> -> memref<10000xi32, #tpu.memory_space<hbm>>
      %dma_start3A_466 = tpu.memref_slice %arg2[%mul3A_2] : memref<320000xi32, #tpu.memory_space<hbm>> -> memref<10000xi32, #tpu.memory_space<hbm>>
      tpu.enqueue_dma source(%dma_start3A_466 : memref<10000xi32, #tpu.memory_space<hbm>>) target(%arg16 : memref<10000xi32, #tpu.memory_space<vmem>>) target_semaphore(%run_scoped3A : memref<!tpu.dma_semaphore, #tpu.memory_space<semaphore_mem>>)
      %dma_wait3A = tpu.memref_slice %arg2[%mul3A_2] : memref<320000xi32, #tpu.memory_space<hbm>> -> memref<10000xi32, #tpu.memory_space<hbm>>
      %dma_wait3A_467 = tpu.memref_slice %arg2[%mul3A_2] : memref<320000xi32, #tpu.memory_space<hbm>> -> memref<10000xi32, #tpu.memory_space<hbm>>
      tpu.wait_dma2 semaphore(%run_scoped3A : memref<!tpu.dma_semaphore, #tpu.memory_space<semaphore_mem>>) src(%dma_wait3A_467 : memref<10000xi32, #tpu.memory_space<hbm>>) dst(%arg16 : memref<10000xi32, #tpu.memory_space<vmem>>)
      tpu.yield
    }) : () -> ()
    "tpu.region"() ({
      %run_scoped3A = tpu.sem_alloc : memref<!tpu.dma_semaphore, #tpu.memory_space<semaphore_mem>>
      %dma_start3A = tpu.memref_slice %arg4[%mul3A_2] : memref<320000xf32, #tpu.memory_space<hbm>> -> memref<10000xf32, #tpu.memory_space<hbm>>
      %dma_start3A_466 = tpu.memref_slice %arg4[%mul3A_2] : memref<320000xf32, #tpu.memory_space<hbm>> -> memref<10000xf32, #tpu.memory_space<hbm>>
      tpu.enqueue_dma source(%dma_start3A_466 : memref<10000xf32, #tpu.memory_space<hbm>>) target(%arg17 : memref<10000xf32, #tpu.memory_space<vmem>>) target_semaphore(%run_scoped3A : memref<!tpu.dma_semaphore, #tpu.memory_space<semaphore_mem>>)
      %dma_wait3A = tpu.memref_slice %arg4[%mul3A_2] : memref<320000xf32, #tpu.memory_space<hbm>> -> memref<10000xf32, #tpu.memory_space<hbm>>
      %dma_wait3A_467 = tpu.memref_slice %arg4[%mul3A_2] : memref<320000xf32, #tpu.memory_space<hbm>> -> memref<10000xf32, #tpu.memory_space<hbm>>
      tpu.wait_dma2 semaphore(%run_scoped3A : memref<!tpu.dma_semaphore, #tpu.memory_space<semaphore_mem>>) src(%dma_wait3A_467 : memref<10000xf32, #tpu.memory_space<hbm>>) dst(%arg17 : memref<10000xf32, #tpu.memory_space<vmem>>)
      tpu.yield
    }) : () -> ()
    "tpu.region"() ({
      %run_scoped3A = tpu.sem_alloc : memref<!tpu.dma_semaphore, #tpu.memory_space<semaphore_mem>>
      %dma_start3A = tpu.memref_slice %arg5[%mul3A_2] : memref<320000xf32, #tpu.memory_space<hbm>> -> memref<10000xf32, #tpu.memory_space<hbm>>
      %dma_start3A_466 = tpu.memref_slice %arg5[%mul3A_2] : memref<320000xf32, #tpu.memory_space<hbm>> -> memref<10000xf32, #tpu.memory_space<hbm>>
      tpu.enqueue_dma source(%dma_start3A_466 : memref<10000xf32, #tpu.memory_space<hbm>>) target(%arg18 : memref<10000xf32, #tpu.memory_space<vmem>>) target_semaphore(%run_scoped3A : memref<!tpu.dma_semaphore, #tpu.memory_space<semaphore_mem>>)
      %dma_wait3A = tpu.memref_slice %arg5[%mul3A_2] : memref<320000xf32, #tpu.memory_space<hbm>> -> memref<10000xf32, #tpu.memory_space<hbm>>
      %dma_wait3A_467 = tpu.memref_slice %arg5[%mul3A_2] : memref<320000xf32, #tpu.memory_space<hbm>> -> memref<10000xf32, #tpu.memory_space<hbm>>
      tpu.wait_dma2 semaphore(%run_scoped3A : memref<!tpu.dma_semaphore, #tpu.memory_space<semaphore_mem>>) src(%dma_wait3A_467 : memref<10000xf32, #tpu.memory_space<hbm>>) dst(%arg18 : memref<10000xf32, #tpu.memory_space<vmem>>)
      tpu.yield
    }) : () -> ()
    "tpu.region"() ({
      %run_scoped3A = tpu.sem_alloc : memref<!tpu.dma_semaphore, #tpu.memory_space<semaphore_mem>>
      tpu.enqueue_dma source(%arg6 : memref<10000xf32, #tpu.memory_space<hbm>>) target(%arg19 : memref<10000xf32, #tpu.memory_space<vmem>>) target_semaphore(%run_scoped3A : memref<!tpu.dma_semaphore, #tpu.memory_space<semaphore_mem>>)
      tpu.wait_dma2 semaphore(%run_scoped3A : memref<!tpu.dma_semaphore, #tpu.memory_space<semaphore_mem>>) src(%arg6 : memref<10000xf32, #tpu.memory_space<hbm>>) dst(%arg19 : memref<10000xf32, #tpu.memory_space<vmem>>)
      tpu.yield
    }) : () -> ()
    "tpu.region"() ({
      %run_scoped3A = tpu.sem_alloc : memref<!tpu.dma_semaphore, #tpu.memory_space<semaphore_mem>>
      tpu.enqueue_dma source(%arg7 : memref<16xi32, #tpu.memory_space<hbm>>) target(%arg20 : memref<16xi32, #tpu.memory_space<vmem>>) target_semaphore(%run_scoped3A : memref<!tpu.dma_semaphore, #tpu.memory_space<semaphore_mem>>)
      tpu.wait_dma2 semaphore(%run_scoped3A : memref<!tpu.dma_semaphore, #tpu.memory_space<semaphore_mem>>) src(%arg7 : memref<16xi32, #tpu.memory_space<hbm>>) dst(%arg20 : memref<16xi32, #tpu.memory_space<vmem>>)
      tpu.yield
    }) : () -> ()
    "tpu.region"() ({
      %run_scoped3A = tpu.sem_alloc : memref<!tpu.dma_semaphore, #tpu.memory_space<semaphore_mem>>
      tpu.enqueue_dma source(%arg8 : memref<16xi32, #tpu.memory_space<hbm>>) target(%arg21 : memref<16xi32, #tpu.memory_space<vmem>>) target_semaphore(%run_scoped3A : memref<!tpu.dma_semaphore, #tpu.memory_space<semaphore_mem>>)
      tpu.wait_dma2 semaphore(%run_scoped3A : memref<!tpu.dma_semaphore, #tpu.memory_space<semaphore_mem>>) src(%arg8 : memref<16xi32, #tpu.memory_space<hbm>>) dst(%arg21 : memref<16xi32, #tpu.memory_space<vmem>>)
      tpu.yield
    }) : () -> ()
    %iota3A = tpu.iota {dimensions = array<i32: 0>} : vector<16xi32>
    %get3A = arith.constant 0 : index
    %get3A_3 = tpu.vector_load %arg20[%get3A] {strides = array<i32>} : memref<16xi32, #tpu.memory_space<vmem>>, vector<16xi32>,
    %get3A_4 = arith.constant 0 : index
    %get3A_5 = tpu.vector_load %arg21[%get3A_4] {strides = array<i32>} : memref<16xi32, #tpu.memory_space<vmem>>, vector<16xi32>,
    %mul3A_6 = arith.constant 625 : i32
    %mul3A_7 = vector.broadcast %mul3A_6 : i32 to vector<16xi32>
    %mul3A_8 = arith.muli %iota3A, %mul3A_7 : vector<16xi32>
    %mul3A_9 = arith.constant 8 : i32
    %mul3A_10 = vector.broadcast %mul3A_9 : i32 to vector<16xi32>
    %mul3A_11 = arith.muli %iota3A, %mul3A_10 : vector<16xi32>
    %broadcast_in_dim3A = arith.constant 0 : i32
    %broadcast_in_dim3A_12 = vector.broadcast %broadcast_in_dim3A : i32 to vector<16xi32>
    %scan3A = arith.constant 0 : i32
    %scan3A_13 = arith.constant 625 : i32
    %scan3A_14 = arith.addi %scan3A, %scan3A_13 : i32
    %scan3A_15 = arith.constant 1 : i32
    %scan3A_16 = scf.for %scan3A_466 = %scan3A to %scan3A_14 step %scan3A_15 iter_args(%scan3A_467 = %broadcast_in_dim3A_12) -> (vector<16xi32>)  : i32 {
      %add3A_468 = vector.broadcast %scan3A_466 : i32 to vector<16xi32>
      %add3A_469 = arith.addi %mul3A_8, %add3A_468 : vector<16xi32>
      %gather3A_470 = tpu.vector_load_idx %arg15[%add3A_469] : memref<10000xi32, #tpu.memory_space<vmem>>[vector<16xi32>], vector<16xi32>,
      %eq3A_471 = arith.cmpi eq, %gather3A_470, %get3A_3 : vector<16xi32>
      %eq3A_472 = arith.cmpi eq, %gather3A_470, %get3A_5 : vector<16xi32>
      %or3A = arith.ori %eq3A_471, %eq3A_472 : vector<16xi1>
      %min3A_473 = arith.constant 7 : i32
      %min3A_474 = vector.broadcast %min3A_473 : i32 to vector<16xi32>
      %min3A_475 = arith.minsi %scan3A_467, %min3A_474 : vector<16xi32>
      %add3A_476 = arith.addi %mul3A_11, %min3A_475 : vector<16xi32>
      tpu.vector_store_idx %arg22[%add3A_476], %add3A_469 masked %or3A : memref<128xi32, #tpu.memory_space<vmem>>[vector<16xi32>], vector<16xi32>, vector<16xi1>
      %jit3A_477 = arith.constant 1 : i32
      %jit3A_478 = arith.constant 0 : i32
      %broadcast_in_dim3A_479 = vector.broadcast %jit3A_477 : i32 to vector<16xi32>
      %broadcast_in_dim3A_480 = vector.broadcast %jit3A_478 : i32 to vector<16xi32>
      %select_n3A_481 = arith.select %or3A, %broadcast_in_dim3A_479, %broadcast_in_dim3A_480 : vector<16xi1>, vector<16xi32>
      %add3A_482 = arith.addi %scan3A_467, %select_n3A_481 : vector<16xi32>
      scf.yield %add3A_482 : vector<16xi32>
    }
    %scan3A_17 = arith.constant 625 : i32
    %min3A = arith.constant 8 : i32
    %min3A_18 = vector.broadcast %min3A : i32 to vector<16xi32>
    %min3A_19 = arith.minsi %scan3A_16, %min3A_18 : vector<16xi32>
    %swap3A = arith.constant 0 : index
    %swap3A_20 = tpu.vector_load %arg23[%swap3A] {strides = array<i32>} : memref<16xi32, #tpu.memory_space<vmem>>, vector<16xi32>,
    tpu.vector_store %arg23[%swap3A], %min3A_19 {strides = array<i32>} : memref<16xi32, #tpu.memory_space<vmem>>, vector<16xi32>,
    %sub3A = arith.constant 1 : i32
    %sub3A_21 = vector.broadcast %sub3A : i32 to vector<16xi32>
    %sub3A_22 = arith.subi %iota3A, %sub3A_21 : vector<16xi32>
    %max3A = arith.constant 0 : i32
    %max3A_23 = vector.broadcast %max3A : i32 to vector<16xi32>
    %max3A_24 = arith.maxsi %sub3A_22, %max3A_23 : vector<16xi32>
    %gather3A = tpu.vector_load_idx %arg23[%max3A_24] : memref<16xi32, #tpu.memory_space<vmem>>[vector<16xi32>], vector<16xi32>,
    %ge3A = arith.constant 1 : i32
    %ge3A_25 = vector.broadcast %ge3A : i32 to vector<16xi32>
    %ge3A_26 = arith.cmpi sge, %iota3A, %ge3A_25 : vector<16xi32>
    %jit3A = arith.constant 0 : i32
    %broadcast_in_dim3A_27 = vector.broadcast %jit3A : i32 to vector<16xi32>
    %select_n3A = arith.select %ge3A_26, %gather3A, %broadcast_in_dim3A_27 : vector<16xi1>, vector<16xi32>
    %add3A_28 = arith.addi %min3A_19, %select_n3A : vector<16xi32>
    %swap3A_29 = arith.constant 0 : index
    %swap3A_30 = tpu.vector_load %arg23[%swap3A_29] {strides = array<i32>} : memref<16xi32, #tpu.memory_space<vmem>>, vector<16xi32>,
    tpu.vector_store %arg23[%swap3A_29], %add3A_28 {strides = array<i32>} : memref<16xi32, #tpu.memory_space<vmem>>, vector<16xi32>,
    %sub3A_31 = arith.constant 2 : i32
    %sub3A_32 = vector.broadcast %sub3A_31 : i32 to vector<16xi32>
    %sub3A_33 = arith.subi %iota3A, %sub3A_32 : vector<16xi32>
    %max3A_34 = arith.constant 0 : i32
    %max3A_35 = vector.broadcast %max3A_34 : i32 to vector<16xi32>
    %max3A_36 = arith.maxsi %sub3A_33, %max3A_35 : vector<16xi32>
    %gather3A_37 = tpu.vector_load_idx %arg23[%max3A_36] : memref<16xi32, #tpu.memory_space<vmem>>[vector<16xi32>], vector<16xi32>,
    %ge3A_38 = arith.constant 2 : i32
    %ge3A_39 = vector.broadcast %ge3A_38 : i32 to vector<16xi32>
    %ge3A_40 = arith.cmpi sge, %iota3A, %ge3A_39 : vector<16xi32>
    %jit3A_41 = arith.constant 0 : i32
    %broadcast_in_dim3A_42 = vector.broadcast %jit3A_41 : i32 to vector<16xi32>
    %select_n3A_43 = arith.select %ge3A_40, %gather3A_37, %broadcast_in_dim3A_42 : vector<16xi1>, vector<16xi32>
    %add3A_44 = arith.addi %add3A_28, %select_n3A_43 : vector<16xi32>
    %swap3A_45 = arith.constant 0 : index
    %swap3A_46 = tpu.vector_load %arg23[%swap3A_45] {strides = array<i32>} : memref<16xi32, #tpu.memory_space<vmem>>, vector<16xi32>,
    tpu.vector_store %arg23[%swap3A_45], %add3A_44 {strides = array<i32>} : memref<16xi32, #tpu.memory_space<vmem>>, vector<16xi32>,
    %sub3A_47 = arith.constant 4 : i32
    %sub3A_48 = vector.broadcast %sub3A_47 : i32 to vector<16xi32>
    %sub3A_49 = arith.subi %iota3A, %sub3A_48 : vector<16xi32>
    %max3A_50 = arith.constant 0 : i32
    %max3A_51 = vector.broadcast %max3A_50 : i32 to vector<16xi32>
    %max3A_52 = arith.maxsi %sub3A_49, %max3A_51 : vector<16xi32>
    %gather3A_53 = tpu.vector_load_idx %arg23[%max3A_52] : memref<16xi32, #tpu.memory_space<vmem>>[vector<16xi32>], vector<16xi32>,
    %ge3A_54 = arith.constant 4 : i32
    %ge3A_55 = vector.broadcast %ge3A_54 : i32 to vector<16xi32>
    %ge3A_56 = arith.cmpi sge, %iota3A, %ge3A_55 : vector<16xi32>
    %jit3A_57 = arith.constant 0 : i32
    %broadcast_in_dim3A_58 = vector.broadcast %jit3A_57 : i32 to vector<16xi32>
    %select_n3A_59 = arith.select %ge3A_56, %gather3A_53, %broadcast_in_dim3A_58 : vector<16xi1>, vector<16xi32>
    %add3A_60 = arith.addi %add3A_44, %select_n3A_59 : vector<16xi32>
    %swap3A_61 = arith.constant 0 : index
    %swap3A_62 = tpu.vector_load %arg23[%swap3A_61] {strides = array<i32>} : memref<16xi32, #tpu.memory_space<vmem>>, vector<16xi32>,
    tpu.vector_store %arg23[%swap3A_61], %add3A_60 {strides = array<i32>} : memref<16xi32, #tpu.memory_space<vmem>>, vector<16xi32>,
    %sub3A_63 = arith.constant 8 : i32
    %sub3A_64 = vector.broadcast %sub3A_63 : i32 to vector<16xi32>
    %sub3A_65 = arith.subi %iota3A, %sub3A_64 : vector<16xi32>
    %max3A_66 = arith.constant 0 : i32
    %max3A_67 = vector.broadcast %max3A_66 : i32 to vector<16xi32>
    %max3A_68 = arith.maxsi %sub3A_65, %max3A_67 : vector<16xi32>
    %gather3A_69 = tpu.vector_load_idx %arg23[%max3A_68] : memref<16xi32, #tpu.memory_space<vmem>>[vector<16xi32>], vector<16xi32>,
    %ge3A_70 = arith.constant 8 : i32
    %ge3A_71 = vector.broadcast %ge3A_70 : i32 to vector<16xi32>
    %ge3A_72 = arith.cmpi sge, %iota3A, %ge3A_71 : vector<16xi32>
    %jit3A_73 = arith.constant 0 : i32
    %broadcast_in_dim3A_74 = vector.broadcast %jit3A_73 : i32 to vector<16xi32>
    %select_n3A_75 = arith.select %ge3A_72, %gather3A_69, %broadcast_in_dim3A_74 : vector<16xi1>, vector<16xi32>
    %add3A_76 = arith.addi %add3A_60, %select_n3A_75 : vector<16xi32>
    %sub3A_77 = arith.subi %add3A_76, %min3A_19 : vector<16xi32>
    %swap3A_78 = arith.constant 0 : index
    %swap3A_79 = tpu.vector_load %arg23[%swap3A_78] {strides = array<i32>} : memref<16xi32, #tpu.memory_space<vmem>>, vector<16xi32>,
    tpu.vector_store %arg23[%swap3A_78], %add3A_76 {strides = array<i32>} : memref<16xi32, #tpu.memory_space<vmem>>, vector<16xi32>,
    %broadcast_in_dim3A_80 = arith.constant 15 : i32
    %broadcast_in_dim3A_81 = vector.broadcast %broadcast_in_dim3A_80 : i32 to vector<16xi32>
    %gather3A_82 = tpu.vector_load_idx %arg23[%broadcast_in_dim3A_81] : memref<16xi32, #tpu.memory_space<vmem>>[vector<16xi32>], vector<16xi32>,
    %min3A_83 = arith.constant 16 : i32
    %min3A_84 = vector.broadcast %min3A_83 : i32 to vector<16xi32>
    %min3A_85 = arith.minsi %gather3A_82, %min3A_84 : vector<16xi32>
    %swap3A_86 = arith.constant 0 : index
    %swap3A_87 = tpu.vector_load %arg24[%swap3A_86] {strides = array<i32>} : memref<16xi32, #tpu.memory_space<vmem>>, vector<16xi32>,
    tpu.vector_store %arg24[%swap3A_86], %min3A_85 {strides = array<i32>} : memref<16xi32, #tpu.memory_space<vmem>>, vector<16xi32>,
    "tpu.region"() ({
      %run_scoped3A = tpu.sem_alloc : memref<!tpu.dma_semaphore, #tpu.memory_space<semaphore_mem>>
      %dma_start3A = arith.constant 0 : i32
      %dma_start3A_466 = tpu.memref_slice %arg9[%add3A, %dma_start3A] : memref<32x16xi32, #tpu.memory_space<hbm>> -> memref<1x16xi32, #tpu.memory_space<hbm>>
      %dma_start3A_467 = tpu.memref_squeeze %dma_start3A_466 : memref<1x16xi32, #tpu.memory_space<hbm>> -> memref<16xi32, #tpu.memory_space<hbm>>
      %dma_start3A_468 = arith.constant 0 : i32
      %dma_start3A_469 = tpu.memref_slice %arg9[%add3A, %dma_start3A_468] : memref<32x16xi32, #tpu.memory_space<hbm>> -> memref<1x16xi32, #tpu.memory_space<hbm>>
      %dma_start3A_470 = tpu.memref_squeeze %dma_start3A_469 : memref<1x16xi32, #tpu.memory_space<hbm>> -> memref<16xi32, #tpu.memory_space<hbm>>
      tpu.enqueue_dma source(%arg24 : memref<16xi32, #tpu.memory_space<vmem>>) target(%dma_start3A_470 : memref<16xi32, #tpu.memory_space<hbm>>) target_semaphore(%run_scoped3A : memref<!tpu.dma_semaphore, #tpu.memory_space<semaphore_mem>>)
      %dma_wait3A = arith.constant 0 : i32
      %dma_wait3A_471 = tpu.memref_slice %arg9[%add3A, %dma_wait3A] : memref<32x16xi32, #tpu.memory_space<hbm>> -> memref<1x16xi32, #tpu.memory_space<hbm>>
      %dma_wait3A_472 = tpu.memref_squeeze %dma_wait3A_471 : memref<1x16xi32, #tpu.memory_space<hbm>> -> memref<16xi32, #tpu.memory_space<hbm>>
      %dma_wait3A_473 = arith.constant 0 : i32
      %dma_wait3A_474 = tpu.memref_slice %arg9[%add3A, %dma_wait3A_473] : memref<32x16xi32, #tpu.memory_space<hbm>> -> memref<1x16xi32, #tpu.memory_space<hbm>>
      %dma_wait3A_475 = tpu.memref_squeeze %dma_wait3A_474 : memref<1x16xi32, #tpu.memory_space<hbm>> -> memref<16xi32, #tpu.memory_space<hbm>>
      tpu.wait_dma2 semaphore(%run_scoped3A : memref<!tpu.dma_semaphore, #tpu.memory_space<semaphore_mem>>) src(%arg24 : memref<16xi32, #tpu.memory_space<vmem>>) dst(%dma_wait3A_475 : memref<16xi32, #tpu.memory_space<hbm>>)
      tpu.yield
    }) : () -> ()
    %broadcast_in_dim3A_88 = arith.constant 0 : i32
    %broadcast_in_dim3A_89 = vector.broadcast %broadcast_in_dim3A_88 : i32 to vector<16xi32>
    %broadcast_in_dim3A_90 = arith.constant 0.000000e+00 : f32
    %broadcast_in_dim3A_91 = vector.broadcast %broadcast_in_dim3A_90 : f32 to vector<16xf32>
    %swap3A_92 = arith.constant 0 : index
    %swap3A_93 = tpu.vector_load %arg25[%swap3A_92] {strides = array<i32>} : memref<16xi32, #tpu.memory_space<vmem>>, vector<16xi32>,
    tpu.vector_store %arg25[%swap3A_92], %broadcast_in_dim3A_89 {strides = array<i32>} : memref<16xi32, #tpu.memory_space<vmem>>, vector<16xi32>,
    %swap3A_94 = arith.constant 0 : index
    %swap3A_95 = tpu.vector_load %arg26[%swap3A_94] {strides = array<i32>} : memref<16xi32, #tpu.memory_space<vmem>>, vector<16xi32>,
    tpu.vector_store %arg26[%swap3A_94], %broadcast_in_dim3A_89 {strides = array<i32>} : memref<16xi32, #tpu.memory_space<vmem>>, vector<16xi32>,
    %swap3A_96 = arith.constant 0 : index
    %swap3A_97 = tpu.vector_load %arg27[%swap3A_96] {strides = array<i32>} : memref<16xf32, #tpu.memory_space<vmem>>, vector<16xf32>,
    tpu.vector_store %arg27[%swap3A_96], %broadcast_in_dim3A_91 {strides = array<i32>} : memref<16xf32, #tpu.memory_space<vmem>>, vector<16xf32>,
    %swap3A_98 = arith.constant 0 : index
    %swap3A_99 = tpu.vector_load %arg28[%swap3A_98] {strides = array<i32>} : memref<16xf32, #tpu.memory_space<vmem>>, vector<16xf32>,
    tpu.vector_store %arg28[%swap3A_98], %broadcast_in_dim3A_91 {strides = array<i32>} : memref<16xf32, #tpu.memory_space<vmem>>, vector<16xf32>,
    %swap3A_100 = arith.constant 0 : index
    %swap3A_101 = tpu.vector_load %arg29[%swap3A_100] {strides = array<i32>} : memref<16xf32, #tpu.memory_space<vmem>>, vector<16xf32>,
    tpu.vector_store %arg29[%swap3A_100], %broadcast_in_dim3A_91 {strides = array<i32>} : memref<16xf32, #tpu.memory_space<vmem>>, vector<16xf32>,
    %gt3A = arith.constant 0 : i32
    %gt3A_102 = vector.broadcast %gt3A : i32 to vector<16xi32>
    %gt3A_103 = arith.cmpi sgt, %scan3A_16, %gt3A_102 : vector<16xi32>
    %add3A_104 = arith.constant 0 : i32
    %add3A_105 = vector.broadcast %add3A_104 : i32 to vector<16xi32>
    %add3A_106 = arith.addi %mul3A_11, %add3A_105 : vector<16xi32>
    %gather3A_107 = tpu.vector_load_idx %arg22[%add3A_106] : memref<128xi32, #tpu.memory_space<vmem>>[vector<16xi32>], vector<16xi32>,
    %min3A_108 = arith.constant 9999 : i32
    %min3A_109 = vector.broadcast %min3A_108 : i32 to vector<16xi32>
    %min3A_110 = arith.minsi %gather3A_107, %min3A_109 : vector<16xi32>
    %max3A_111 = arith.constant 0 : i32
    %max3A_112 = vector.broadcast %max3A_111 : i32 to vector<16xi32>
    %max3A_113 = arith.maxsi %min3A_110, %max3A_112 : vector<16xi32>
    %gather3A_114 = tpu.vector_load_idx %arg15[%max3A_113] : memref<10000xi32, #tpu.memory_space<vmem>>[vector<16xi32>], vector<16xi32>,
    %gather3A_115 = tpu.vector_load_idx %arg16[%max3A_113] : memref<10000xi32, #tpu.memory_space<vmem>>[vector<16xi32>], vector<16xi32>,
    %gather3A_116 = tpu.vector_load_idx %arg17[%max3A_113] : memref<10000xf32, #tpu.memory_space<vmem>>[vector<16xi32>], vector<16xf32>,
    %gather3A_117 = tpu.vector_load_idx %arg18[%max3A_113] : memref<10000xf32, #tpu.memory_space<vmem>>[vector<16xi32>], vector<16xf32>,
    %gather3A_118 = tpu.vector_load_idx %arg19[%gather3A_115] : memref<10000xf32, #tpu.memory_space<vmem>>[vector<16xi32>], vector<16xf32>,
    %sub3A_119 = arith.subf %gather3A_116, %gather3A_118 : vector<16xf32>
    %neg3A = arith.constant 0.000000e+00 : f32
    %neg3A_120 = vector.broadcast %neg3A : f32 to vector<16xf32>
    %neg3A_121 = arith.subf %neg3A_120, %gather3A_117 : vector<16xf32>
    %exp3A = math.exp %neg3A_121 : vector<16xf32>
    %add3A_122 = arith.constant 1.000000e+00 : f32
    %add3A_123 = vector.broadcast %add3A_122 : f32 to vector<16xf32>
    %add3A_124 = arith.addf %add3A_123, %exp3A : vector<16xf32>
    %div3A = arith.constant 1.000000e+00 : f32
    %div3A_125 = vector.broadcast %div3A : f32 to vector<16xf32>
    %div3A_126 = arith.divf %div3A_125, %add3A_124 : vector<16xf32>
    %broadcast_in_dim3A_127 = arith.constant 0.000000e+00 : f32
    %broadcast_in_dim3A_128 = vector.broadcast %broadcast_in_dim3A_127 : f32 to vector<16xf32>
    %eq3A = arith.cmpi eq, %gather3A_114, %get3A_3 : vector<16xi32>
    %and3A = arith.andi %gt3A_103, %eq3A : vector<16xi1>
    %select_n3A_129 = arith.select %and3A, %div3A_126, %broadcast_in_dim3A_128 : vector<16xi1>, vector<16xf32>
    %eq3A_130 = arith.cmpi eq, %gather3A_114, %get3A_5 : vector<16xi32>
    %and3A_131 = arith.andi %gt3A_103, %eq3A_130 : vector<16xi1>
    %select_n3A_132 = arith.select %and3A_131, %div3A_126, %broadcast_in_dim3A_128 : vector<16xi1>, vector<16xf32>
    %add3A_133 = arith.constant 0 : i32
    %add3A_134 = vector.broadcast %add3A_133 : i32 to vector<16xi32>
    %add3A_135 = arith.addi %sub3A_77, %add3A_134 : vector<16xi32>
    %min3A_136 = arith.constant 15 : i32
    %min3A_137 = vector.broadcast %min3A_136 : i32 to vector<16xi32>
    %min3A_138 = arith.minsi %add3A_135, %min3A_137 : vector<16xi32>
    tpu.vector_store_idx %arg25[%min3A_138], %gather3A_115 masked %gt3A_103 : memref<16xi32, #tpu.memory_space<vmem>>[vector<16xi32>], vector<16xi32>, vector<16xi1>
    %add3A_139 = vector.broadcast %mul3A_2 : i32 to vector<16xi32>
    %add3A_140 = arith.addi %add3A_139, %max3A_113 : vector<16xi32>
    tpu.vector_store_idx %arg26[%min3A_138], %add3A_140 masked %gt3A_103 : memref<16xi32, #tpu.memory_space<vmem>>[vector<16xi32>], vector<16xi32>, vector<16xi1>
    tpu.vector_store_idx %arg27[%min3A_138], %select_n3A_129 masked %gt3A_103 : memref<16xf32, #tpu.memory_space<vmem>>[vector<16xi32>], vector<16xf32>, vector<16xi1>
    tpu.vector_store_idx %arg28[%min3A_138], %select_n3A_132 masked %gt3A_103 : memref<16xf32, #tpu.memory_space<vmem>>[vector<16xi32>], vector<16xf32>, vector<16xi1>
    tpu.vector_store_idx %arg29[%min3A_138], %sub3A_119 masked %gt3A_103 : memref<16xf32, #tpu.memory_space<vmem>>[vector<16xi32>], vector<16xf32>, vector<16xi1>
    %gt3A_141 = arith.constant 1 : i32
    %gt3A_142 = vector.broadcast %gt3A_141 : i32 to vector<16xi32>
    %gt3A_143 = arith.cmpi sgt, %scan3A_16, %gt3A_142 : vector<16xi32>
    %add3A_144 = arith.constant 1 : i32
    %add3A_145 = vector.broadcast %add3A_144 : i32 to vector<16xi32>
    %add3A_146 = arith.addi %mul3A_11, %add3A_145 : vector<16xi32>
    %gather3A_147 = tpu.vector_load_idx %arg22[%add3A_146] : memref<128xi32, #tpu.memory_space<vmem>>[vector<16xi32>], vector<16xi32>,
    %min3A_148 = arith.constant 9999 : i32
    %min3A_149 = vector.broadcast %min3A_148 : i32 to vector<16xi32>
    %min3A_150 = arith.minsi %gather3A_147, %min3A_149 : vector<16xi32>
    %max3A_151 = arith.constant 0 : i32
    %max3A_152 = vector.broadcast %max3A_151 : i32 to vector<16xi32>
    %max3A_153 = arith.maxsi %min3A_150, %max3A_152 : vector<16xi32>
    %gather3A_154 = tpu.vector_load_idx %arg15[%max3A_153] : memref<10000xi32, #tpu.memory_space<vmem>>[vector<16xi32>], vector<16xi32>,
    %gather3A_155 = tpu.vector_load_idx %arg16[%max3A_153] : memref<10000xi32, #tpu.memory_space<vmem>>[vector<16xi32>], vector<16xi32>,
    %gather3A_156 = tpu.vector_load_idx %arg17[%max3A_153] : memref<10000xf32, #tpu.memory_space<vmem>>[vector<16xi32>], vector<16xf32>,
    %gather3A_157 = tpu.vector_load_idx %arg18[%max3A_153] : memref<10000xf32, #tpu.memory_space<vmem>>[vector<16xi32>], vector<16xf32>,
    %gather3A_158 = tpu.vector_load_idx %arg19[%gather3A_155] : memref<10000xf32, #tpu.memory_space<vmem>>[vector<16xi32>], vector<16xf32>,
    %sub3A_159 = arith.subf %gather3A_156, %gather3A_158 : vector<16xf32>
    %neg3A_160 = arith.constant 0.000000e+00 : f32
    %neg3A_161 = vector.broadcast %neg3A_160 : f32 to vector<16xf32>
    %neg3A_162 = arith.subf %neg3A_161, %gather3A_157 : vector<16xf32>
    %exp3A_163 = math.exp %neg3A_162 : vector<16xf32>
    %add3A_164 = arith.constant 1.000000e+00 : f32
    %add3A_165 = vector.broadcast %add3A_164 : f32 to vector<16xf32>
    %add3A_166 = arith.addf %add3A_165, %exp3A_163 : vector<16xf32>
    %div3A_167 = arith.constant 1.000000e+00 : f32
    %div3A_168 = vector.broadcast %div3A_167 : f32 to vector<16xf32>
    %div3A_169 = arith.divf %div3A_168, %add3A_166 : vector<16xf32>
    %broadcast_in_dim3A_170 = arith.constant 0.000000e+00 : f32
    %broadcast_in_dim3A_171 = vector.broadcast %broadcast_in_dim3A_170 : f32 to vector<16xf32>
    %eq3A_172 = arith.cmpi eq, %gather3A_154, %get3A_3 : vector<16xi32>
    %and3A_173 = arith.andi %gt3A_143, %eq3A_172 : vector<16xi1>
    %select_n3A_174 = arith.select %and3A_173, %div3A_169, %broadcast_in_dim3A_171 : vector<16xi1>, vector<16xf32>
    %eq3A_175 = arith.cmpi eq, %gather3A_154, %get3A_5 : vector<16xi32>
    %and3A_176 = arith.andi %gt3A_143, %eq3A_175 : vector<16xi1>
    %select_n3A_177 = arith.select %and3A_176, %div3A_169, %broadcast_in_dim3A_171 : vector<16xi1>, vector<16xf32>
    %add3A_178 = arith.constant 1 : i32
    %add3A_179 = vector.broadcast %add3A_178 : i32 to vector<16xi32>
    %add3A_180 = arith.addi %sub3A_77, %add3A_179 : vector<16xi32>
    %min3A_181 = arith.constant 15 : i32
    %min3A_182 = vector.broadcast %min3A_181 : i32 to vector<16xi32>
    %min3A_183 = arith.minsi %add3A_180, %min3A_182 : vector<16xi32>
    tpu.vector_store_idx %arg25[%min3A_183], %gather3A_155 masked %gt3A_143 : memref<16xi32, #tpu.memory_space<vmem>>[vector<16xi32>], vector<16xi32>, vector<16xi1>
    %add3A_184 = vector.broadcast %mul3A_2 : i32 to vector<16xi32>
    %add3A_185 = arith.addi %add3A_184, %max3A_153 : vector<16xi32>
    tpu.vector_store_idx %arg26[%min3A_183], %add3A_185 masked %gt3A_143 : memref<16xi32, #tpu.memory_space<vmem>>[vector<16xi32>], vector<16xi32>, vector<16xi1>
    tpu.vector_store_idx %arg27[%min3A_183], %select_n3A_174 masked %gt3A_143 : memref<16xf32, #tpu.memory_space<vmem>>[vector<16xi32>], vector<16xf32>, vector<16xi1>
    tpu.vector_store_idx %arg28[%min3A_183], %select_n3A_177 masked %gt3A_143 : memref<16xf32, #tpu.memory_space<vmem>>[vector<16xi32>], vector<16xf32>, vector<16xi1>
    tpu.vector_store_idx %arg29[%min3A_183], %sub3A_159 masked %gt3A_143 : memref<16xf32, #tpu.memory_space<vmem>>[vector<16xi32>], vector<16xf32>, vector<16xi1>
    %gt3A_186 = arith.constant 2 : i32
    %gt3A_187 = vector.broadcast %gt3A_186 : i32 to vector<16xi32>
    %gt3A_188 = arith.cmpi sgt, %scan3A_16, %gt3A_187 : vector<16xi32>
    %add3A_189 = arith.constant 2 : i32
    %add3A_190 = vector.broadcast %add3A_189 : i32 to vector<16xi32>
    %add3A_191 = arith.addi %mul3A_11, %add3A_190 : vector<16xi32>
    %gather3A_192 = tpu.vector_load_idx %arg22[%add3A_191] : memref<128xi32, #tpu.memory_space<vmem>>[vector<16xi32>], vector<16xi32>,
    %min3A_193 = arith.constant 9999 : i32
    %min3A_194 = vector.broadcast %min3A_193 : i32 to vector<16xi32>
    %min3A_195 = arith.minsi %gather3A_192, %min3A_194 : vector<16xi32>
    %max3A_196 = arith.constant 0 : i32
    %max3A_197 = vector.broadcast %max3A_196 : i32 to vector<16xi32>
    %max3A_198 = arith.maxsi %min3A_195, %max3A_197 : vector<16xi32>
    %gather3A_199 = tpu.vector_load_idx %arg15[%max3A_198] : memref<10000xi32, #tpu.memory_space<vmem>>[vector<16xi32>], vector<16xi32>,
    %gather3A_200 = tpu.vector_load_idx %arg16[%max3A_198] : memref<10000xi32, #tpu.memory_space<vmem>>[vector<16xi32>], vector<16xi32>,
    %gather3A_201 = tpu.vector_load_idx %arg17[%max3A_198] : memref<10000xf32, #tpu.memory_space<vmem>>[vector<16xi32>], vector<16xf32>,
    %gather3A_202 = tpu.vector_load_idx %arg18[%max3A_198] : memref<10000xf32, #tpu.memory_space<vmem>>[vector<16xi32>], vector<16xf32>,
    %gather3A_203 = tpu.vector_load_idx %arg19[%gather3A_200] : memref<10000xf32, #tpu.memory_space<vmem>>[vector<16xi32>], vector<16xf32>,
    %sub3A_204 = arith.subf %gather3A_201, %gather3A_203 : vector<16xf32>
    %neg3A_205 = arith.constant 0.000000e+00 : f32
    %neg3A_206 = vector.broadcast %neg3A_205 : f32 to vector<16xf32>
    %neg3A_207 = arith.subf %neg3A_206, %gather3A_202 : vector<16xf32>
    %exp3A_208 = math.exp %neg3A_207 : vector<16xf32>
    %add3A_209 = arith.constant 1.000000e+00 : f32
    %add3A_210 = vector.broadcast %add3A_209 : f32 to vector<16xf32>
    %add3A_211 = arith.addf %add3A_210, %exp3A_208 : vector<16xf32>
    %div3A_212 = arith.constant 1.000000e+00 : f32
    %div3A_213 = vector.broadcast %div3A_212 : f32 to vector<16xf32>
    %div3A_214 = arith.divf %div3A_213, %add3A_211 : vector<16xf32>
    %broadcast_in_dim3A_215 = arith.constant 0.000000e+00 : f32
    %broadcast_in_dim3A_216 = vector.broadcast %broadcast_in_dim3A_215 : f32 to vector<16xf32>
    %eq3A_217 = arith.cmpi eq, %gather3A_199, %get3A_3 : vector<16xi32>
    %and3A_218 = arith.andi %gt3A_188, %eq3A_217 : vector<16xi1>
    %select_n3A_219 = arith.select %and3A_218, %div3A_214, %broadcast_in_dim3A_216 : vector<16xi1>, vector<16xf32>
    %eq3A_220 = arith.cmpi eq, %gather3A_199, %get3A_5 : vector<16xi32>
    %and3A_221 = arith.andi %gt3A_188, %eq3A_220 : vector<16xi1>
    %select_n3A_222 = arith.select %and3A_221, %div3A_214, %broadcast_in_dim3A_216 : vector<16xi1>, vector<16xf32>
    %add3A_223 = arith.constant 2 : i32
    %add3A_224 = vector.broadcast %add3A_223 : i32 to vector<16xi32>
    %add3A_225 = arith.addi %sub3A_77, %add3A_224 : vector<16xi32>
    %min3A_226 = arith.constant 15 : i32
    %min3A_227 = vector.broadcast %min3A_226 : i32 to vector<16xi32>
    %min3A_228 = arith.minsi %add3A_225, %min3A_227 : vector<16xi32>
    tpu.vector_store_idx %arg25[%min3A_228], %gather3A_200 masked %gt3A_188 : memref<16xi32, #tpu.memory_space<vmem>>[vector<16xi32>], vector<16xi32>, vector<16xi1>
    %add3A_229 = vector.broadcast %mul3A_2 : i32 to vector<16xi32>
    %add3A_230 = arith.addi %add3A_229, %max3A_198 : vector<16xi32>
    tpu.vector_store_idx %arg26[%min3A_228], %add3A_230 masked %gt3A_188 : memref<16xi32, #tpu.memory_space<vmem>>[vector<16xi32>], vector<16xi32>, vector<16xi1>
    tpu.vector_store_idx %arg27[%min3A_228], %select_n3A_219 masked %gt3A_188 : memref<16xf32, #tpu.memory_space<vmem>>[vector<16xi32>], vector<16xf32>, vector<16xi1>
    tpu.vector_store_idx %arg28[%min3A_228], %select_n3A_222 masked %gt3A_188 : memref<16xf32, #tpu.memory_space<vmem>>[vector<16xi32>], vector<16xf32>, vector<16xi1>
    tpu.vector_store_idx %arg29[%min3A_228], %sub3A_204 masked %gt3A_188 : memref<16xf32, #tpu.memory_space<vmem>>[vector<16xi32>], vector<16xf32>, vector<16xi1>
    %gt3A_231 = arith.constant 3 : i32
    %gt3A_232 = vector.broadcast %gt3A_231 : i32 to vector<16xi32>
    %gt3A_233 = arith.cmpi sgt, %scan3A_16, %gt3A_232 : vector<16xi32>
    %add3A_234 = arith.constant 3 : i32
    %add3A_235 = vector.broadcast %add3A_234 : i32 to vector<16xi32>
    %add3A_236 = arith.addi %mul3A_11, %add3A_235 : vector<16xi32>
    %gather3A_237 = tpu.vector_load_idx %arg22[%add3A_236] : memref<128xi32, #tpu.memory_space<vmem>>[vector<16xi32>], vector<16xi32>,
    %min3A_238 = arith.constant 9999 : i32
    %min3A_239 = vector.broadcast %min3A_238 : i32 to vector<16xi32>
    %min3A_240 = arith.minsi %gather3A_237, %min3A_239 : vector<16xi32>
    %max3A_241 = arith.constant 0 : i32
    %max3A_242 = vector.broadcast %max3A_241 : i32 to vector<16xi32>
    %max3A_243 = arith.maxsi %min3A_240, %max3A_242 : vector<16xi32>
    %gather3A_244 = tpu.vector_load_idx %arg15[%max3A_243] : memref<10000xi32, #tpu.memory_space<vmem>>[vector<16xi32>], vector<16xi32>,
    %gather3A_245 = tpu.vector_load_idx %arg16[%max3A_243] : memref<10000xi32, #tpu.memory_space<vmem>>[vector<16xi32>], vector<16xi32>,
    %gather3A_246 = tpu.vector_load_idx %arg17[%max3A_243] : memref<10000xf32, #tpu.memory_space<vmem>>[vector<16xi32>], vector<16xf32>,
    %gather3A_247 = tpu.vector_load_idx %arg18[%max3A_243] : memref<10000xf32, #tpu.memory_space<vmem>>[vector<16xi32>], vector<16xf32>,
    %gather3A_248 = tpu.vector_load_idx %arg19[%gather3A_245] : memref<10000xf32, #tpu.memory_space<vmem>>[vector<16xi32>], vector<16xf32>,
    %sub3A_249 = arith.subf %gather3A_246, %gather3A_248 : vector<16xf32>
    %neg3A_250 = arith.constant 0.000000e+00 : f32
    %neg3A_251 = vector.broadcast %neg3A_250 : f32 to vector<16xf32>
    %neg3A_252 = arith.subf %neg3A_251, %gather3A_247 : vector<16xf32>
    %exp3A_253 = math.exp %neg3A_252 : vector<16xf32>
    %add3A_254 = arith.constant 1.000000e+00 : f32
    %add3A_255 = vector.broadcast %add3A_254 : f32 to vector<16xf32>
    %add3A_256 = arith.addf %add3A_255, %exp3A_253 : vector<16xf32>
    %div3A_257 = arith.constant 1.000000e+00 : f32
    %div3A_258 = vector.broadcast %div3A_257 : f32 to vector<16xf32>
    %div3A_259 = arith.divf %div3A_258, %add3A_256 : vector<16xf32>
    %broadcast_in_dim3A_260 = arith.constant 0.000000e+00 : f32
    %broadcast_in_dim3A_261 = vector.broadcast %broadcast_in_dim3A_260 : f32 to vector<16xf32>
    %eq3A_262 = arith.cmpi eq, %gather3A_244, %get3A_3 : vector<16xi32>
    %and3A_263 = arith.andi %gt3A_233, %eq3A_262 : vector<16xi1>
    %select_n3A_264 = arith.select %and3A_263, %div3A_259, %broadcast_in_dim3A_261 : vector<16xi1>, vector<16xf32>
    %eq3A_265 = arith.cmpi eq, %gather3A_244, %get3A_5 : vector<16xi32>
    %and3A_266 = arith.andi %gt3A_233, %eq3A_265 : vector<16xi1>
    %select_n3A_267 = arith.select %and3A_266, %div3A_259, %broadcast_in_dim3A_261 : vector<16xi1>, vector<16xf32>
    %add3A_268 = arith.constant 3 : i32
    %add3A_269 = vector.broadcast %add3A_268 : i32 to vector<16xi32>
    %add3A_270 = arith.addi %sub3A_77, %add3A_269 : vector<16xi32>
    %min3A_271 = arith.constant 15 : i32
    %min3A_272 = vector.broadcast %min3A_271 : i32 to vector<16xi32>
    %min3A_273 = arith.minsi %add3A_270, %min3A_272 : vector<16xi32>
    tpu.vector_store_idx %arg25[%min3A_273], %gather3A_245 masked %gt3A_233 : memref<16xi32, #tpu.memory_space<vmem>>[vector<16xi32>], vector<16xi32>, vector<16xi1>
    %add3A_274 = vector.broadcast %mul3A_2 : i32 to vector<16xi32>
    %add3A_275 = arith.addi %add3A_274, %max3A_243 : vector<16xi32>
    tpu.vector_store_idx %arg26[%min3A_273], %add3A_275 masked %gt3A_233 : memref<16xi32, #tpu.memory_space<vmem>>[vector<16xi32>], vector<16xi32>, vector<16xi1>
    tpu.vector_store_idx %arg27[%min3A_273], %select_n3A_264 masked %gt3A_233 : memref<16xf32, #tpu.memory_space<vmem>>[vector<16xi32>], vector<16xf32>, vector<16xi1>
    tpu.vector_store_idx %arg28[%min3A_273], %select_n3A_267 masked %gt3A_233 : memref<16xf32, #tpu.memory_space<vmem>>[vector<16xi32>], vector<16xf32>, vector<16xi1>
    tpu.vector_store_idx %arg29[%min3A_273], %sub3A_249 masked %gt3A_233 : memref<16xf32, #tpu.memory_space<vmem>>[vector<16xi32>], vector<16xf32>, vector<16xi1>
    %gt3A_276 = arith.constant 4 : i32
    %gt3A_277 = vector.broadcast %gt3A_276 : i32 to vector<16xi32>
    %gt3A_278 = arith.cmpi sgt, %scan3A_16, %gt3A_277 : vector<16xi32>
    %add3A_279 = arith.constant 4 : i32
    %add3A_280 = vector.broadcast %add3A_279 : i32 to vector<16xi32>
    %add3A_281 = arith.addi %mul3A_11, %add3A_280 : vector<16xi32>
    %gather3A_282 = tpu.vector_load_idx %arg22[%add3A_281] : memref<128xi32, #tpu.memory_space<vmem>>[vector<16xi32>], vector<16xi32>,
    %min3A_283 = arith.constant 9999 : i32
    %min3A_284 = vector.broadcast %min3A_283 : i32 to vector<16xi32>
    %min3A_285 = arith.minsi %gather3A_282, %min3A_284 : vector<16xi32>
    %max3A_286 = arith.constant 0 : i32
    %max3A_287 = vector.broadcast %max3A_286 : i32 to vector<16xi32>
    %max3A_288 = arith.maxsi %min3A_285, %max3A_287 : vector<16xi32>
    %gather3A_289 = tpu.vector_load_idx %arg15[%max3A_288] : memref<10000xi32, #tpu.memory_space<vmem>>[vector<16xi32>], vector<16xi32>,
    %gather3A_290 = tpu.vector_load_idx %arg16[%max3A_288] : memref<10000xi32, #tpu.memory_space<vmem>>[vector<16xi32>], vector<16xi32>,
    %gather3A_291 = tpu.vector_load_idx %arg17[%max3A_288] : memref<10000xf32, #tpu.memory_space<vmem>>[vector<16xi32>], vector<16xf32>,
    %gather3A_292 = tpu.vector_load_idx %arg18[%max3A_288] : memref<10000xf32, #tpu.memory_space<vmem>>[vector<16xi32>], vector<16xf32>,
    %gather3A_293 = tpu.vector_load_idx %arg19[%gather3A_290] : memref<10000xf32, #tpu.memory_space<vmem>>[vector<16xi32>], vector<16xf32>,
    %sub3A_294 = arith.subf %gather3A_291, %gather3A_293 : vector<16xf32>
    %neg3A_295 = arith.constant 0.000000e+00 : f32
    %neg3A_296 = vector.broadcast %neg3A_295 : f32 to vector<16xf32>
    %neg3A_297 = arith.subf %neg3A_296, %gather3A_292 : vector<16xf32>
    %exp3A_298 = math.exp %neg3A_297 : vector<16xf32>
    %add3A_299 = arith.constant 1.000000e+00 : f32
    %add3A_300 = vector.broadcast %add3A_299 : f32 to vector<16xf32>
    %add3A_301 = arith.addf %add3A_300, %exp3A_298 : vector<16xf32>
    %div3A_302 = arith.constant 1.000000e+00 : f32
    %div3A_303 = vector.broadcast %div3A_302 : f32 to vector<16xf32>
    %div3A_304 = arith.divf %div3A_303, %add3A_301 : vector<16xf32>
    %broadcast_in_dim3A_305 = arith.constant 0.000000e+00 : f32
    %broadcast_in_dim3A_306 = vector.broadcast %broadcast_in_dim3A_305 : f32 to vector<16xf32>
    %eq3A_307 = arith.cmpi eq, %gather3A_289, %get3A_3 : vector<16xi32>
    %and3A_308 = arith.andi %gt3A_278, %eq3A_307 : vector<16xi1>
    %select_n3A_309 = arith.select %and3A_308, %div3A_304, %broadcast_in_dim3A_306 : vector<16xi1>, vector<16xf32>
    %eq3A_310 = arith.cmpi eq, %gather3A_289, %get3A_5 : vector<16xi32>
    %and3A_311 = arith.andi %gt3A_278, %eq3A_310 : vector<16xi1>
    %select_n3A_312 = arith.select %and3A_311, %div3A_304, %broadcast_in_dim3A_306 : vector<16xi1>, vector<16xf32>
    %add3A_313 = arith.constant 4 : i32
    %add3A_314 = vector.broadcast %add3A_313 : i32 to vector<16xi32>
    %add3A_315 = arith.addi %sub3A_77, %add3A_314 : vector<16xi32>
    %min3A_316 = arith.constant 15 : i32
    %min3A_317 = vector.broadcast %min3A_316 : i32 to vector<16xi32>
    %min3A_318 = arith.minsi %add3A_315, %min3A_317 : vector<16xi32>
    tpu.vector_store_idx %arg25[%min3A_318], %gather3A_290 masked %gt3A_278 : memref<16xi32, #tpu.memory_space<vmem>>[vector<16xi32>], vector<16xi32>, vector<16xi1>
    %add3A_319 = vector.broadcast %mul3A_2 : i32 to vector<16xi32>
    %add3A_320 = arith.addi %add3A_319, %max3A_288 : vector<16xi32>
    tpu.vector_store_idx %arg26[%min3A_318], %add3A_320 masked %gt3A_278 : memref<16xi32, #tpu.memory_space<vmem>>[vector<16xi32>], vector<16xi32>, vector<16xi1>
    tpu.vector_store_idx %arg27[%min3A_318], %select_n3A_309 masked %gt3A_278 : memref<16xf32, #tpu.memory_space<vmem>>[vector<16xi32>], vector<16xf32>, vector<16xi1>
    tpu.vector_store_idx %arg28[%min3A_318], %select_n3A_312 masked %gt3A_278 : memref<16xf32, #tpu.memory_space<vmem>>[vector<16xi32>], vector<16xf32>, vector<16xi1>
    tpu.vector_store_idx %arg29[%min3A_318], %sub3A_294 masked %gt3A_278 : memref<16xf32, #tpu.memory_space<vmem>>[vector<16xi32>], vector<16xf32>, vector<16xi1>
    %gt3A_321 = arith.constant 5 : i32
    %gt3A_322 = vector.broadcast %gt3A_321 : i32 to vector<16xi32>
    %gt3A_323 = arith.cmpi sgt, %scan3A_16, %gt3A_322 : vector<16xi32>
    %add3A_324 = arith.constant 5 : i32
    %add3A_325 = vector.broadcast %add3A_324 : i32 to vector<16xi32>
    %add3A_326 = arith.addi %mul3A_11, %add3A_325 : vector<16xi32>
    %gather3A_327 = tpu.vector_load_idx %arg22[%add3A_326] : memref<128xi32, #tpu.memory_space<vmem>>[vector<16xi32>], vector<16xi32>,
    %min3A_328 = arith.constant 9999 : i32
    %min3A_329 = vector.broadcast %min3A_328 : i32 to vector<16xi32>
    %min3A_330 = arith.minsi %gather3A_327, %min3A_329 : vector<16xi32>
    %max3A_331 = arith.constant 0 : i32
    %max3A_332 = vector.broadcast %max3A_331 : i32 to vector<16xi32>
    %max3A_333 = arith.maxsi %min3A_330, %max3A_332 : vector<16xi32>
    %gather3A_334 = tpu.vector_load_idx %arg15[%max3A_333] : memref<10000xi32, #tpu.memory_space<vmem>>[vector<16xi32>], vector<16xi32>,
    %gather3A_335 = tpu.vector_load_idx %arg16[%max3A_333] : memref<10000xi32, #tpu.memory_space<vmem>>[vector<16xi32>], vector<16xi32>,
    %gather3A_336 = tpu.vector_load_idx %arg17[%max3A_333] : memref<10000xf32, #tpu.memory_space<vmem>>[vector<16xi32>], vector<16xf32>,
    %gather3A_337 = tpu.vector_load_idx %arg18[%max3A_333] : memref<10000xf32, #tpu.memory_space<vmem>>[vector<16xi32>], vector<16xf32>,
    %gather3A_338 = tpu.vector_load_idx %arg19[%gather3A_335] : memref<10000xf32, #tpu.memory_space<vmem>>[vector<16xi32>], vector<16xf32>,
    %sub3A_339 = arith.subf %gather3A_336, %gather3A_338 : vector<16xf32>
    %neg3A_340 = arith.constant 0.000000e+00 : f32
    %neg3A_341 = vector.broadcast %neg3A_340 : f32 to vector<16xf32>
    %neg3A_342 = arith.subf %neg3A_341, %gather3A_337 : vector<16xf32>
    %exp3A_343 = math.exp %neg3A_342 : vector<16xf32>
    %add3A_344 = arith.constant 1.000000e+00 : f32
    %add3A_345 = vector.broadcast %add3A_344 : f32 to vector<16xf32>
    %add3A_346 = arith.addf %add3A_345, %exp3A_343 : vector<16xf32>
    %div3A_347 = arith.constant 1.000000e+00 : f32
    %div3A_348 = vector.broadcast %div3A_347 : f32 to vector<16xf32>
    %div3A_349 = arith.divf %div3A_348, %add3A_346 : vector<16xf32>
    %broadcast_in_dim3A_350 = arith.constant 0.000000e+00 : f32
    %broadcast_in_dim3A_351 = vector.broadcast %broadcast_in_dim3A_350 : f32 to vector<16xf32>
    %eq3A_352 = arith.cmpi eq, %gather3A_334, %get3A_3 : vector<16xi32>
    %and3A_353 = arith.andi %gt3A_323, %eq3A_352 : vector<16xi1>
    %select_n3A_354 = arith.select %and3A_353, %div3A_349, %broadcast_in_dim3A_351 : vector<16xi1>, vector<16xf32>
    %eq3A_355 = arith.cmpi eq, %gather3A_334, %get3A_5 : vector<16xi32>
    %and3A_356 = arith.andi %gt3A_323, %eq3A_355 : vector<16xi1>
    %select_n3A_357 = arith.select %and3A_356, %div3A_349, %broadcast_in_dim3A_351 : vector<16xi1>, vector<16xf32>
    %add3A_358 = arith.constant 5 : i32
    %add3A_359 = vector.broadcast %add3A_358 : i32 to vector<16xi32>
    %add3A_360 = arith.addi %sub3A_77, %add3A_359 : vector<16xi32>
    %min3A_361 = arith.constant 15 : i32
    %min3A_362 = vector.broadcast %min3A_361 : i32 to vector<16xi32>
    %min3A_363 = arith.minsi %add3A_360, %min3A_362 : vector<16xi32>
    tpu.vector_store_idx %arg25[%min3A_363], %gather3A_335 masked %gt3A_323 : memref<16xi32, #tpu.memory_space<vmem>>[vector<16xi32>], vector<16xi32>, vector<16xi1>
    %add3A_364 = vector.broadcast %mul3A_2 : i32 to vector<16xi32>
    %add3A_365 = arith.addi %add3A_364, %max3A_333 : vector<16xi32>
    tpu.vector_store_idx %arg26[%min3A_363], %add3A_365 masked %gt3A_323 : memref<16xi32, #tpu.memory_space<vmem>>[vector<16xi32>], vector<16xi32>, vector<16xi1>
    tpu.vector_store_idx %arg27[%min3A_363], %select_n3A_354 masked %gt3A_323 : memref<16xf32, #tpu.memory_space<vmem>>[vector<16xi32>], vector<16xf32>, vector<16xi1>
    tpu.vector_store_idx %arg28[%min3A_363], %select_n3A_357 masked %gt3A_323 : memref<16xf32, #tpu.memory_space<vmem>>[vector<16xi32>], vector<16xf32>, vector<16xi1>
    tpu.vector_store_idx %arg29[%min3A_363], %sub3A_339 masked %gt3A_323 : memref<16xf32, #tpu.memory_space<vmem>>[vector<16xi32>], vector<16xf32>, vector<16xi1>
    %gt3A_366 = arith.constant 6 : i32
    %gt3A_367 = vector.broadcast %gt3A_366 : i32 to vector<16xi32>
    %gt3A_368 = arith.cmpi sgt, %scan3A_16, %gt3A_367 : vector<16xi32>
    %add3A_369 = arith.constant 6 : i32
    %add3A_370 = vector.broadcast %add3A_369 : i32 to vector<16xi32>
    %add3A_371 = arith.addi %mul3A_11, %add3A_370 : vector<16xi32>
    %gather3A_372 = tpu.vector_load_idx %arg22[%add3A_371] : memref<128xi32, #tpu.memory_space<vmem>>[vector<16xi32>], vector<16xi32>,
    %min3A_373 = arith.constant 9999 : i32
    %min3A_374 = vector.broadcast %min3A_373 : i32 to vector<16xi32>
    %min3A_375 = arith.minsi %gather3A_372, %min3A_374 : vector<16xi32>
    %max3A_376 = arith.constant 0 : i32
    %max3A_377 = vector.broadcast %max3A_376 : i32 to vector<16xi32>
    %max3A_378 = arith.maxsi %min3A_375, %max3A_377 : vector<16xi32>
    %gather3A_379 = tpu.vector_load_idx %arg15[%max3A_378] : memref<10000xi32, #tpu.memory_space<vmem>>[vector<16xi32>], vector<16xi32>,
    %gather3A_380 = tpu.vector_load_idx %arg16[%max3A_378] : memref<10000xi32, #tpu.memory_space<vmem>>[vector<16xi32>], vector<16xi32>,
    %gather3A_381 = tpu.vector_load_idx %arg17[%max3A_378] : memref<10000xf32, #tpu.memory_space<vmem>>[vector<16xi32>], vector<16xf32>,
    %gather3A_382 = tpu.vector_load_idx %arg18[%max3A_378] : memref<10000xf32, #tpu.memory_space<vmem>>[vector<16xi32>], vector<16xf32>,
    %gather3A_383 = tpu.vector_load_idx %arg19[%gather3A_380] : memref<10000xf32, #tpu.memory_space<vmem>>[vector<16xi32>], vector<16xf32>,
    %sub3A_384 = arith.subf %gather3A_381, %gather3A_383 : vector<16xf32>
    %neg3A_385 = arith.constant 0.000000e+00 : f32
    %neg3A_386 = vector.broadcast %neg3A_385 : f32 to vector<16xf32>
    %neg3A_387 = arith.subf %neg3A_386, %gather3A_382 : vector<16xf32>
    %exp3A_388 = math.exp %neg3A_387 : vector<16xf32>
    %add3A_389 = arith.constant 1.000000e+00 : f32
    %add3A_390 = vector.broadcast %add3A_389 : f32 to vector<16xf32>
    %add3A_391 = arith.addf %add3A_390, %exp3A_388 : vector<16xf32>
    %div3A_392 = arith.constant 1.000000e+00 : f32
    %div3A_393 = vector.broadcast %div3A_392 : f32 to vector<16xf32>
    %div3A_394 = arith.divf %div3A_393, %add3A_391 : vector<16xf32>
    %broadcast_in_dim3A_395 = arith.constant 0.000000e+00 : f32
    %broadcast_in_dim3A_396 = vector.broadcast %broadcast_in_dim3A_395 : f32 to vector<16xf32>
    %eq3A_397 = arith.cmpi eq, %gather3A_379, %get3A_3 : vector<16xi32>
    %and3A_398 = arith.andi %gt3A_368, %eq3A_397 : vector<16xi1>
    %select_n3A_399 = arith.select %and3A_398, %div3A_394, %broadcast_in_dim3A_396 : vector<16xi1>, vector<16xf32>
    %eq3A_400 = arith.cmpi eq, %gather3A_379, %get3A_5 : vector<16xi32>
    %and3A_401 = arith.andi %gt3A_368, %eq3A_400 : vector<16xi1>
    %select_n3A_402 = arith.select %and3A_401, %div3A_394, %broadcast_in_dim3A_396 : vector<16xi1>, vector<16xf32>
    %add3A_403 = arith.constant 6 : i32
    %add3A_404 = vector.broadcast %add3A_403 : i32 to vector<16xi32>
    %add3A_405 = arith.addi %sub3A_77, %add3A_404 : vector<16xi32>
    %min3A_406 = arith.constant 15 : i32
    %min3A_407 = vector.broadcast %min3A_406 : i32 to vector<16xi32>
    %min3A_408 = arith.minsi %add3A_405, %min3A_407 : vector<16xi32>
    tpu.vector_store_idx %arg25[%min3A_408], %gather3A_380 masked %gt3A_368 : memref<16xi32, #tpu.memory_space<vmem>>[vector<16xi32>], vector<16xi32>, vector<16xi1>
    %add3A_409 = vector.broadcast %mul3A_2 : i32 to vector<16xi32>
    %add3A_410 = arith.addi %add3A_409, %max3A_378 : vector<16xi32>
    tpu.vector_store_idx %arg26[%min3A_408], %add3A_410 masked %gt3A_368 : memref<16xi32, #tpu.memory_space<vmem>>[vector<16xi32>], vector<16xi32>, vector<16xi1>
    tpu.vector_store_idx %arg27[%min3A_408], %select_n3A_399 masked %gt3A_368 : memref<16xf32, #tpu.memory_space<vmem>>[vector<16xi32>], vector<16xf32>, vector<16xi1>
    tpu.vector_store_idx %arg28[%min3A_408], %select_n3A_402 masked %gt3A_368 : memref<16xf32, #tpu.memory_space<vmem>>[vector<16xi32>], vector<16xf32>, vector<16xi1>
    tpu.vector_store_idx %arg29[%min3A_408], %sub3A_384 masked %gt3A_368 : memref<16xf32, #tpu.memory_space<vmem>>[vector<16xi32>], vector<16xf32>, vector<16xi1>
    %gt3A_411 = arith.constant 7 : i32
    %gt3A_412 = vector.broadcast %gt3A_411 : i32 to vector<16xi32>
    %gt3A_413 = arith.cmpi sgt, %scan3A_16, %gt3A_412 : vector<16xi32>
    %add3A_414 = arith.constant 7 : i32
    %add3A_415 = vector.broadcast %add3A_414 : i32 to vector<16xi32>
    %add3A_416 = arith.addi %mul3A_11, %add3A_415 : vector<16xi32>
    %gather3A_417 = tpu.vector_load_idx %arg22[%add3A_416] : memref<128xi32, #tpu.memory_space<vmem>>[vector<16xi32>], vector<16xi32>,
    %min3A_418 = arith.constant 9999 : i32
    %min3A_419 = vector.broadcast %min3A_418 : i32 to vector<16xi32>
    %min3A_420 = arith.minsi %gather3A_417, %min3A_419 : vector<16xi32>
    %max3A_421 = arith.constant 0 : i32
    %max3A_422 = vector.broadcast %max3A_421 : i32 to vector<16xi32>
    %max3A_423 = arith.maxsi %min3A_420, %max3A_422 : vector<16xi32>
    %gather3A_424 = tpu.vector_load_idx %arg15[%max3A_423] : memref<10000xi32, #tpu.memory_space<vmem>>[vector<16xi32>], vector<16xi32>,
    %gather3A_425 = tpu.vector_load_idx %arg16[%max3A_423] : memref<10000xi32, #tpu.memory_space<vmem>>[vector<16xi32>], vector<16xi32>,
    %gather3A_426 = tpu.vector_load_idx %arg17[%max3A_423] : memref<10000xf32, #tpu.memory_space<vmem>>[vector<16xi32>], vector<16xf32>,
    %gather3A_427 = tpu.vector_load_idx %arg18[%max3A_423] : memref<10000xf32, #tpu.memory_space<vmem>>[vector<16xi32>], vector<16xf32>,
    %gather3A_428 = tpu.vector_load_idx %arg19[%gather3A_425] : memref<10000xf32, #tpu.memory_space<vmem>>[vector<16xi32>], vector<16xf32>,
    %sub3A_429 = arith.subf %gather3A_426, %gather3A_428 : vector<16xf32>
    %neg3A_430 = arith.constant 0.000000e+00 : f32
    %neg3A_431 = vector.broadcast %neg3A_430 : f32 to vector<16xf32>
    %neg3A_432 = arith.subf %neg3A_431, %gather3A_427 : vector<16xf32>
    %exp3A_433 = math.exp %neg3A_432 : vector<16xf32>
    %add3A_434 = arith.constant 1.000000e+00 : f32
    %add3A_435 = vector.broadcast %add3A_434 : f32 to vector<16xf32>
    %add3A_436 = arith.addf %add3A_435, %exp3A_433 : vector<16xf32>
    %div3A_437 = arith.constant 1.000000e+00 : f32
    %div3A_438 = vector.broadcast %div3A_437 : f32 to vector<16xf32>
    %div3A_439 = arith.divf %div3A_438, %add3A_436 : vector<16xf32>
    %broadcast_in_dim3A_440 = arith.constant 0.000000e+00 : f32
    %broadcast_in_dim3A_441 = vector.broadcast %broadcast_in_dim3A_440 : f32 to vector<16xf32>
    %eq3A_442 = arith.cmpi eq, %gather3A_424, %get3A_3 : vector<16xi32>
    %and3A_443 = arith.andi %gt3A_413, %eq3A_442 : vector<16xi1>
    %select_n3A_444 = arith.select %and3A_443, %div3A_439, %broadcast_in_dim3A_441 : vector<16xi1>, vector<16xf32>
    %eq3A_445 = arith.cmpi eq, %gather3A_424, %get3A_5 : vector<16xi32>
    %and3A_446 = arith.andi %gt3A_413, %eq3A_445 : vector<16xi1>
    %select_n3A_447 = arith.select %and3A_446, %div3A_439, %broadcast_in_dim3A_441 : vector<16xi1>, vector<16xf32>
    %add3A_448 = arith.constant 7 : i32
    %add3A_449 = vector.broadcast %add3A_448 : i32 to vector<16xi32>
    %add3A_450 = arith.addi %sub3A_77, %add3A_449 : vector<16xi32>
    %min3A_451 = arith.constant 15 : i32
    %min3A_452 = vector.broadcast %min3A_451 : i32 to vector<16xi32>
    %min3A_453 = arith.minsi %add3A_450, %min3A_452 : vector<16xi32>
    tpu.vector_store_idx %arg25[%min3A_453], %gather3A_425 masked %gt3A_413 : memref<16xi32, #tpu.memory_space<vmem>>[vector<16xi32>], vector<16xi32>, vector<16xi1>
    %add3A_454 = vector.broadcast %mul3A_2 : i32 to vector<16xi32>
    %add3A_455 = arith.addi %add3A_454, %max3A_423 : vector<16xi32>
    tpu.vector_store_idx %arg26[%min3A_453], %add3A_455 masked %gt3A_413 : memref<16xi32, #tpu.memory_space<vmem>>[vector<16xi32>], vector<16xi32>, vector<16xi1>
    tpu.vector_store_idx %arg27[%min3A_453], %select_n3A_444 masked %gt3A_413 : memref<16xf32, #tpu.memory_space<vmem>>[vector<16xi32>], vector<16xf32>, vector<16xi1>
    tpu.vector_store_idx %arg28[%min3A_453], %select_n3A_447 masked %gt3A_413 : memref<16xf32, #tpu.memory_space<vmem>>[vector<16xi32>], vector<16xf32>, vector<16xi1>
    tpu.vector_store_idx %arg29[%min3A_453], %sub3A_429 masked %gt3A_413 : memref<16xf32, #tpu.memory_space<vmem>>[vector<16xi32>], vector<16xf32>, vector<16xi1>
    %mul3A_456 = arith.constant 16 : i32
    %mul3A_457 = arith.muli %add3A, %mul3A_456 : i32
    "tpu.region"() ({
      %run_scoped3A = tpu.sem_alloc : memref<!tpu.dma_semaphore, #tpu.memory_space<semaphore_mem>>
      %dma_start3A = tpu.memref_slice %arg10[%mul3A_457] : memref<512xi32, #tpu.memory_space<hbm>> -> memref<16xi32, #tpu.memory_space<hbm>>
      %dma_start3A_466 = tpu.memref_slice %arg10[%mul3A_457] : memref<512xi32, #tpu.memory_space<hbm>> -> memref<16xi32, #tpu.memory_space<hbm>>
      tpu.enqueue_dma source(%arg25 : memref<16xi32, #tpu.memory_space<vmem>>) target(%dma_start3A_466 : memref<16xi32, #tpu.memory_space<hbm>>) target_semaphore(%run_scoped3A : memref<!tpu.dma_semaphore, #tpu.memory_space<semaphore_mem>>)
      %dma_wait3A = tpu.memref_slice %arg10[%mul3A_457] : memref<512xi32, #tpu.memory_space<hbm>> -> memref<16xi32, #tpu.memory_space<hbm>>
      %dma_wait3A_467 = tpu.memref_slice %arg10[%mul3A_457] : memref<512xi32, #tpu.memory_space<hbm>> -> memref<16xi32, #tpu.memory_space<hbm>>
      tpu.wait_dma2 semaphore(%run_scoped3A : memref<!tpu.dma_semaphore, #tpu.memory_space<semaphore_mem>>) src(%arg25 : memref<16xi32, #tpu.memory_space<vmem>>) dst(%dma_wait3A_467 : memref<16xi32, #tpu.memory_space<hbm>>)
      tpu.yield
    }) : () -> ()
    %mul3A_458 = arith.constant 16 : i32
    %mul3A_459 = arith.muli %add3A, %mul3A_458 : i32
    "tpu.region"() ({
      %run_scoped3A = tpu.sem_alloc : memref<!tpu.dma_semaphore, #tpu.memory_space<semaphore_mem>>
      %dma_start3A = tpu.memref_slice %arg11[%mul3A_459] : memref<512xi32, #tpu.memory_space<hbm>> -> memref<16xi32, #tpu.memory_space<hbm>>
      %dma_start3A_466 = tpu.memref_slice %arg11[%mul3A_459] : memref<512xi32, #tpu.memory_space<hbm>> -> memref<16xi32, #tpu.memory_space<hbm>>
      tpu.enqueue_dma source(%arg26 : memref<16xi32, #tpu.memory_space<vmem>>) target(%dma_start3A_466 : memref<16xi32, #tpu.memory_space<hbm>>) target_semaphore(%run_scoped3A : memref<!tpu.dma_semaphore, #tpu.memory_space<semaphore_mem>>)
      %dma_wait3A = tpu.memref_slice %arg11[%mul3A_459] : memref<512xi32, #tpu.memory_space<hbm>> -> memref<16xi32, #tpu.memory_space<hbm>>
      %dma_wait3A_467 = tpu.memref_slice %arg11[%mul3A_459] : memref<512xi32, #tpu.memory_space<hbm>> -> memref<16xi32, #tpu.memory_space<hbm>>
      tpu.wait_dma2 semaphore(%run_scoped3A : memref<!tpu.dma_semaphore, #tpu.memory_space<semaphore_mem>>) src(%arg26 : memref<16xi32, #tpu.memory_space<vmem>>) dst(%dma_wait3A_467 : memref<16xi32, #tpu.memory_space<hbm>>)
      tpu.yield
    }) : () -> ()
    %mul3A_460 = arith.constant 16 : i32
    %mul3A_461 = arith.muli %add3A, %mul3A_460 : i32
    "tpu.region"() ({
      %run_scoped3A = tpu.sem_alloc : memref<!tpu.dma_semaphore, #tpu.memory_space<semaphore_mem>>
      %dma_start3A = tpu.memref_slice %arg12[%mul3A_461] : memref<512xf32, #tpu.memory_space<hbm>> -> memref<16xf32, #tpu.memory_space<hbm>>
      %dma_start3A_466 = tpu.memref_slice %arg12[%mul3A_461] : memref<512xf32, #tpu.memory_space<hbm>> -> memref<16xf32, #tpu.memory_space<hbm>>
      tpu.enqueue_dma source(%arg27 : memref<16xf32, #tpu.memory_space<vmem>>) target(%dma_start3A_466 : memref<16xf32, #tpu.memory_space<hbm>>) target_semaphore(%run_scoped3A : memref<!tpu.dma_semaphore, #tpu.memory_space<semaphore_mem>>)
      %dma_wait3A = tpu.memref_slice %arg12[%mul3A_461] : memref<512xf32, #tpu.memory_space<hbm>> -> memref<16xf32, #tpu.memory_space<hbm>>
      %dma_wait3A_467 = tpu.memref_slice %arg12[%mul3A_461] : memref<512xf32, #tpu.memory_space<hbm>> -> memref<16xf32, #tpu.memory_space<hbm>>
      tpu.wait_dma2 semaphore(%run_scoped3A : memref<!tpu.dma_semaphore, #tpu.memory_space<semaphore_mem>>) src(%arg27 : memref<16xf32, #tpu.memory_space<vmem>>) dst(%dma_wait3A_467 : memref<16xf32, #tpu.memory_space<hbm>>)
      tpu.yield
    }) : () -> ()
    %mul3A_462 = arith.constant 16 : i32
    %mul3A_463 = arith.muli %add3A, %mul3A_462 : i32
    "tpu.region"() ({
      %run_scoped3A = tpu.sem_alloc : memref<!tpu.dma_semaphore, #tpu.memory_space<semaphore_mem>>
      %dma_start3A = tpu.memref_slice %arg13[%mul3A_463] : memref<512xf32, #tpu.memory_space<hbm>> -> memref<16xf32, #tpu.memory_space<hbm>>
      %dma_start3A_466 = tpu.memref_slice %arg13[%mul3A_463] : memref<512xf32, #tpu.memory_space<hbm>> -> memref<16xf32, #tpu.memory_space<hbm>>
      tpu.enqueue_dma source(%arg28 : memref<16xf32, #tpu.memory_space<vmem>>) target(%dma_start3A_466 : memref<16xf32, #tpu.memory_space<hbm>>) target_semaphore(%run_scoped3A : memref<!tpu.dma_semaphore, #tpu.memory_space<semaphore_mem>>)
      %dma_wait3A = tpu.memref_slice %arg13[%mul3A_463] : memref<512xf32, #tpu.memory_space<hbm>> -> memref<16xf32, #tpu.memory_space<hbm>>
      %dma_wait3A_467 = tpu.memref_slice %arg13[%mul3A_463] : memref<512xf32, #tpu.memory_space<hbm>> -> memref<16xf32, #tpu.memory_space<hbm>>
      tpu.wait_dma2 semaphore(%run_scoped3A : memref<!tpu.dma_semaphore, #tpu.memory_space<semaphore_mem>>) src(%arg28 : memref<16xf32, #tpu.memory_space<vmem>>) dst(%dma_wait3A_467 : memref<16xf32, #tpu.memory_space<hbm>>)
      tpu.yield
    }) : () -> ()
    %mul3A_464 = arith.constant 16 : i32
    %mul3A_465 = arith.muli %add3A, %mul3A_464 : i32
    "tpu.region"() ({
      %run_scoped3A = tpu.sem_alloc : memref<!tpu.dma_semaphore, #tpu.memory_space<semaphore_mem>>
      %dma_start3A = tpu.memref_slice %arg14[%mul3A_465] : memref<512xf32, #tpu.memory_space<hbm>> -> memref<16xf32, #tpu.memory_space<hbm>>
      %dma_start3A_466 = tpu.memref_slice %arg14[%mul3A_465] : memref<512xf32, #tpu.memory_space<hbm>> -> memref<16xf32, #tpu.memory_space<hbm>>
      tpu.enqueue_dma source(%arg29 : memref<16xf32, #tpu.memory_space<vmem>>) target(%dma_start3A_466 : memref<16xf32, #tpu.memory_space<hbm>>) target_semaphore(%run_scoped3A : memref<!tpu.dma_semaphore, #tpu.memory_space<semaphore_mem>>)
      %dma_wait3A = tpu.memref_slice %arg14[%mul3A_465] : memref<512xf32, #tpu.memory_space<hbm>> -> memref<16xf32, #tpu.memory_space<hbm>>
      %dma_wait3A_467 = tpu.memref_slice %arg14[%mul3A_465] : memref<512xf32, #tpu.memory_space<hbm>> -> memref<16xf32, #tpu.memory_space<hbm>>
      tpu.wait_dma2 semaphore(%run_scoped3A : memref<!tpu.dma_semaphore, #tpu.memory_space<semaphore_mem>>) src(%arg29 : memref<16xf32, #tpu.memory_space<vmem>>) dst(%dma_wait3A_467 : memref<16xf32, #tpu.memory_space<hbm>>)
      tpu.yield
    }) : () -> ()
    return
  }
}

module attributes {stable_mosaic.version = 14 : i64} {
  func.func @_tc_mask_body(%arg0: memref<320000xf32, #tpu.memory_space<vmem>>, %arg1: memref<1x2xf32, #tpu.memory_space<smem>>) attributes {dimension_semantics = [], scalar_prefetch = 0 : i64, scratch_operands = 0 : i64, tpu.core_type = #tpu.core_type<tc>} {
    %get3A = arith.constant 0 : index
    %get3A_0 = vector.load %arg0[%get3A] : memref<320000xf32, #tpu.memory_space<vmem>>, vector<320000xf32>
    %reshape3A = vector.shape_cast %get3A_0 : vector<320000xf32> to vector<2500x128xf32>
    %neg3A = arith.constant 0.000000e+00 : f32
    %neg3A_1 = vector.broadcast %neg3A : f32 to vector<2500x128xf32>
    %neg3A_2 = arith.subf %neg3A_1, %reshape3A : vector<2500x128xf32>
    %exp3A = math.exp %neg3A_2 : vector<2500x128xf32>
    %add3A = arith.constant 1.000000e+00 : f32
    %add3A_3 = vector.broadcast %add3A : f32 to vector<2500x128xf32>
    %add3A_4 = arith.addf %add3A_3, %exp3A : vector<2500x128xf32>
    %div3A = arith.constant 1.000000e+00 : f32
    %div3A_5 = vector.broadcast %div3A : f32 to vector<2500x128xf32>
    %div3A_6 = arith.divf %div3A_5, %add3A_4 : vector<2500x128xf32>
    %reduce_sum3A = vector.shape_cast %div3A_6 : vector<2500x128xf32> to vector<1x2500x128xf32>
    %reduce_sum3A_7 = arith.constant dense<0.000000e+00> : vector<1xf32>
    %reduce_sum3A_8 = vector.multi_reduction <add>, %reduce_sum3A, %reduce_sum3A_7 [1, 2] : vector<1x2500x128xf32> to vector<1xf32>
    %reduce_sum3A_9 = vector.shape_cast %reduce_sum3A_8 : vector<1xf32> to vector<1x1x1xf32>
    %reduce_sum3A_10 = vector.extract %reduce_sum3A_9[0, 0, 0] : f32 from vector<1x1x1xf32>
    %swap3A = arith.constant 0 : index
    %swap3A_11 = arith.constant 0 : index
    %swap3A_12 = memref.load %arg1[%swap3A, %swap3A_11] : memref<1x2xf32, #tpu.memory_space<smem>>
    memref.store %reduce_sum3A_10, %arg1[%swap3A, %swap3A_11] : memref<1x2xf32, #tpu.memory_space<smem>>
    %add3A_13 = arith.constant 9.99999993E-9 : f32
    %add3A_14 = vector.broadcast %add3A_13 : f32 to vector<2500x128xf32>
    %add3A_15 = arith.addf %div3A_6, %add3A_14 : vector<2500x128xf32>
    %log3A = math.log %add3A_15 : vector<2500x128xf32>
    %mul3A = arith.mulf %div3A_6, %log3A : vector<2500x128xf32>
    %sub3A = arith.constant 1.000000e+00 : f32
    %sub3A_16 = vector.broadcast %sub3A : f32 to vector<2500x128xf32>
    %sub3A_17 = arith.subf %sub3A_16, %div3A_6 : vector<2500x128xf32>
    %sub3A_18 = arith.constant 1.000000e+00 : f32
    %sub3A_19 = vector.broadcast %sub3A_18 : f32 to vector<2500x128xf32>
    %sub3A_20 = arith.subf %sub3A_19, %div3A_6 : vector<2500x128xf32>
    %add3A_21 = arith.constant 9.99999993E-9 : f32
    %add3A_22 = vector.broadcast %add3A_21 : f32 to vector<2500x128xf32>
    %add3A_23 = arith.addf %sub3A_20, %add3A_22 : vector<2500x128xf32>
    %log3A_24 = math.log %add3A_23 : vector<2500x128xf32>
    %mul3A_25 = arith.mulf %sub3A_17, %log3A_24 : vector<2500x128xf32>
    %add3A_26 = arith.addf %mul3A, %mul3A_25 : vector<2500x128xf32>
    %reduce_sum3A_27 = vector.shape_cast %add3A_26 : vector<2500x128xf32> to vector<1x2500x128xf32>
    %reduce_sum3A_28 = arith.constant dense<0.000000e+00> : vector<1xf32>
    %reduce_sum3A_29 = vector.multi_reduction <add>, %reduce_sum3A_27, %reduce_sum3A_28 [1, 2] : vector<1x2500x128xf32> to vector<1xf32>
    %reduce_sum3A_30 = vector.shape_cast %reduce_sum3A_29 : vector<1xf32> to vector<1x1x1xf32>
    %reduce_sum3A_31 = vector.extract %reduce_sum3A_30[0, 0, 0] : f32 from vector<1x1x1xf32>
    %swap3A_32 = arith.constant 0 : index
    %swap3A_33 = arith.constant 1 : index
    %swap3A_34 = memref.load %arg1[%swap3A_32, %swap3A_33] : memref<1x2xf32, #tpu.memory_space<smem>>
    memref.store %reduce_sum3A_31, %arg1[%swap3A_32, %swap3A_33] : memref<1x2xf32, #tpu.memory_space<smem>>
    return
  }
}

module attributes {stable_mosaic.version = 14 : i64} {
  func.func @_tc_body(%arg0: memref<1x2xf32, #tpu.memory_space<smem>>, %arg1: memref<32x16xi32, #tpu.memory_space<smem>>, %arg2: memref<512xi32, #tpu.memory_space<smem>>, %arg3: memref<512xi32, #tpu.memory_space<smem>>, %arg4: memref<2xi32, #tpu.memory_space<smem>>, %arg5: memref<1x512xf32, #tpu.memory_space<vmem>>, %arg6: memref<1x512xf32, #tpu.memory_space<vmem>>, %arg7: memref<512x1xf32, #tpu.memory_space<vmem>>, %arg8: memref<10000x128xf32, #tpu.memory_space<any>>, %arg9: memref<64x320000xf32, #tpu.memory_space<any>>, %arg10: memref<1x32xf32, #tpu.memory_space<vmem>>, %arg11: memref<128x128xf32, #tpu.memory_space<vmem>>, %arg12: memref<32x128xf32, #tpu.memory_space<vmem>>, %arg13: memref<64x128xf32, #tpu.memory_space<vmem>>, %arg14: memref<1x128xf32, #tpu.memory_space<vmem>>, %arg15: memref<256x128xf32, #tpu.memory_space<vmem>>, %arg16: memref<1x128xf32, #tpu.memory_space<vmem>>, %arg17: memref<256x128xf32, #tpu.memory_space<vmem>>, %arg18: memref<1x128xf32, #tpu.memory_space<vmem>>, %arg19: memref<128x32xf32, #tpu.memory_space<vmem>>, %arg20: memref<1x32xf32, #tpu.memory_space<vmem>>, %arg21: memref<1x1xf32, #tpu.memory_space<smem>>, %arg22: memref<512x128xf32, #tpu.memory_space<vmem>>, %arg23: memref<512x64xf32, #tpu.memory_space<vmem>>, %arg24: memref<2x128xf32, #tpu.memory_space<vmem>>, %arg25: memref<64x128xf32, #tpu.memory_space<vmem>>, %arg26: memref<64x16384xf32, #tpu.memory_space<vmem>>, %arg27: memref<!tpu.dma_semaphore, #tpu.memory_space<semaphore_mem>>, %arg28: memref<!tpu.dma_semaphore, #tpu.memory_space<semaphore_mem>>) attributes {dimension_semantics = [], scalar_prefetch = 0 : i64, scratch_operands = 7 : i64, tpu.core_type = #tpu.core_type<tc>} {
    %broadcast_in_dim3A = arith.constant 0.000000e+00 : f32
    %broadcast_in_dim3A_0 = vector.broadcast %broadcast_in_dim3A : f32 to vector<512x128xf32>
    %swap3A = arith.constant 0 : index
    %swap3A_1 = arith.constant 0 : index
    %swap3A_2 = vector.load %arg22[%swap3A, %swap3A_1] : memref<512x128xf32, #tpu.memory_space<vmem>>, vector<512x128xf32>
    tpu.vector_store %arg22[%swap3A, %swap3A_1], %broadcast_in_dim3A_0 {strides = array<i32>} : memref<512x128xf32, #tpu.memory_space<vmem>>, vector<512x128xf32>,
    %broadcast_in_dim3A_3 = arith.constant 0.000000e+00 : f32
    %broadcast_in_dim3A_4 = vector.broadcast %broadcast_in_dim3A_3 : f32 to vector<512x64xf32>
    %swap3A_5 = arith.constant 0 : index
    %swap3A_6 = arith.constant 0 : index
    %swap3A_7 = vector.load %arg23[%swap3A_5, %swap3A_6] : memref<512x64xf32, #tpu.memory_space<vmem>>, vector<512x64xf32>
    tpu.vector_store %arg23[%swap3A_5, %swap3A_6], %broadcast_in_dim3A_4 {strides = array<i32>} : memref<512x64xf32, #tpu.memory_space<vmem>>, vector<512x64xf32>,
    %get3A = arith.constant 0 : index
    %get3A_8 = memref.load %arg4[%get3A] : memref<2xi32, #tpu.memory_space<smem>>
    %get3A_9 = arith.constant 1 : index
    %get3A_10 = memref.load %arg4[%get3A_9] : memref<2xi32, #tpu.memory_space<smem>>
    %dma_start3A = arith.constant 0 : i32
    %dma_start3A_11 = arith.constant 0 : i32
    %dma_start3A_12 = tpu.memref_slice %arg24[%dma_start3A, %dma_start3A_11] : memref<2x128xf32, #tpu.memory_space<vmem>> -> memref<1x128xf32, #tpu.memory_space<vmem>>
    %dma_start3A_13 = arith.constant 0 : i32
    %dma_start3A_14 = tpu.memref_slice %arg8[%get3A_8, %dma_start3A_13] : memref<10000x128xf32, #tpu.memory_space<any>> -> memref<1x128xf32, #tpu.memory_space<any>>
    tpu.enqueue_dma source(%dma_start3A_14 : memref<1x128xf32, #tpu.memory_space<any>>) target(%dma_start3A_12 : memref<1x128xf32, #tpu.memory_space<vmem>>) target_semaphore(%arg27 : memref<!tpu.dma_semaphore, #tpu.memory_space<semaphore_mem>>)
    %dma_start3A_15 = arith.constant 1 : i32
    %dma_start3A_16 = arith.constant 0 : i32
    %dma_start3A_17 = tpu.memref_slice %arg24[%dma_start3A_15, %dma_start3A_16] : memref<2x128xf32, #tpu.memory_space<vmem>> -> memref<1x128xf32, #tpu.memory_space<vmem>>
    %dma_start3A_18 = arith.constant 0 : i32
    %dma_start3A_19 = tpu.memref_slice %arg8[%get3A_10, %dma_start3A_18] : memref<10000x128xf32, #tpu.memory_space<any>> -> memref<1x128xf32, #tpu.memory_space<any>>
    tpu.enqueue_dma source(%dma_start3A_19 : memref<1x128xf32, #tpu.memory_space<any>>) target(%dma_start3A_17 : memref<1x128xf32, #tpu.memory_space<vmem>>) target_semaphore(%arg27 : memref<!tpu.dma_semaphore, #tpu.memory_space<semaphore_mem>>)
    %dma_start3A_20 = arith.constant 0 : i32
    %dma_start3A_21 = arith.constant 0 : i32
    %dma_start3A_22 = tpu.memref_slice %arg9[%dma_start3A_20, %dma_start3A_21] : memref<64x320000xf32, #tpu.memory_space<any>> -> memref<64x128xf32, #tpu.memory_space<any>>
    tpu.enqueue_dma source(%dma_start3A_22 : memref<64x128xf32, #tpu.memory_space<any>>) target(%arg25 : memref<64x128xf32, #tpu.memory_space<vmem>>) target_semaphore(%arg28 : memref<!tpu.dma_semaphore, #tpu.memory_space<semaphore_mem>>)
    %scan3A = arith.constant 0 : i32
    %scan3A_23 = arith.constant 0 : i32
    %scan3A_24 = arith.constant 32 : i32
    %scan3A_25 = arith.addi %scan3A_23, %scan3A_24 : i32
    %scan3A_26 = arith.constant 1 : i32
    %scan3A_27 = scf.for %scan3A_216 = %scan3A_23 to %scan3A_25 step %scan3A_26 iter_args(%scan3A_217 = %scan3A) -> (i32)  : i32 {
      %get3A_218 = arith.index_cast %scan3A_216 : i32 to index
      %get3A_219 = arith.constant 0 : index
      %get3A_220 = memref.load %arg1[%get3A_218, %get3A_219] : memref<32x16xi32, #tpu.memory_space<smem>>
      %while3A = arith.constant 0 : i32
      %while3A_221 = arith.subi %get3A_220, %while3A : i32
      %while3A_222 = arith.addi %while3A, %while3A_221 : i32
      %while3A_223 = arith.constant 1 : i32
      %while3A_224 = arith.divsi %while3A_221, %while3A_223 : i32
      %while3A_225 = arith.muli %while3A_224, %while3A_223 : i32
      %while3A_226 = arith.addi %while3A, %while3A_225 : i32
      %while3A_227 = arith.constant 1 : i32
      %while3A_228 = scf.for %while3A_231 = %while3A to %while3A_226 step %while3A_227 iter_args(%while3A_232 = %scan3A_217) -> (i32)  : i32 {
        %mul3A_233 = arith.constant 16 : i32
        %mul3A_234 = arith.muli %scan3A_216, %mul3A_233 : i32
        %add3A_235 = arith.addi %mul3A_234, %while3A_231 : i32
        %get3A_236 = arith.index_cast %add3A_235 : i32 to index
        %get3A_237 = memref.load %arg2[%get3A_236] : memref<512xi32, #tpu.memory_space<smem>>
        %get3A_238 = arith.index_cast %add3A_235 : i32 to index
        %get3A_239 = memref.load %arg3[%get3A_238] : memref<512xi32, #tpu.memory_space<smem>>
        %dma_start3A_240 = arith.constant 0 : i32
        %dma_start3A_241 = tpu.memref_slice %arg22[%add3A_235, %dma_start3A_240] : memref<512x128xf32, #tpu.memory_space<vmem>> -> memref<1x128xf32, #tpu.memory_space<vmem>>
        %dma_start3A_242 = arith.constant 0 : i32
        %dma_start3A_243 = tpu.memref_slice %arg8[%get3A_237, %dma_start3A_242] : memref<10000x128xf32, #tpu.memory_space<any>> -> memref<1x128xf32, #tpu.memory_space<any>>
        tpu.enqueue_dma source(%dma_start3A_243 : memref<1x128xf32, #tpu.memory_space<any>>) target(%dma_start3A_241 : memref<1x128xf32, #tpu.memory_space<vmem>>) target_semaphore(%arg27 : memref<!tpu.dma_semaphore, #tpu.memory_space<semaphore_mem>>)
        %lt3A_244 = arith.constant 128 : i32
        %lt3A_245 = arith.cmpi slt, %while3A_232, %lt3A_244 : i32
        %convert_element_type3A = arith.extui %lt3A_245 : i1 to i32
        %cond3A = arith.constant 0 : i32
        %cond3A_246 = arith.cmpi ne, %convert_element_type3A, %cond3A : i32
        scf.if %cond3A_246 {
          %jit3A_253 = arith.constant 128 : i32
          %div3A = arith.divsi %get3A_239, %jit3A_253 : i32
          %sign3A = arith.constant 0 : i32
          %sign3A_254 = arith.cmpi sgt, %get3A_239, %sign3A : i32
          %sign3A_255 = arith.extui %sign3A_254 : i1 to i32
          %sign3A_256 = arith.constant 0 : i32
          %sign3A_257 = arith.cmpi slt, %get3A_239, %sign3A_256 : i32
          %sign3A_258 = arith.extui %sign3A_257 : i1 to i32
          %sign3A_259 = arith.subi %sign3A_255, %sign3A_258 : i32
          %sign3A_260 = arith.constant 0 : i32
          %sign3A_261 = arith.cmpi sgt, %jit3A_253, %sign3A_260 : i32
          %sign3A_262 = arith.extui %sign3A_261 : i1 to i32
          %sign3A_263 = arith.constant 0 : i32
          %sign3A_264 = arith.cmpi slt, %jit3A_253, %sign3A_263 : i32
          %sign3A_265 = arith.extui %sign3A_264 : i1 to i32
          %sign3A_266 = arith.subi %sign3A_262, %sign3A_265 : i32
          %ne3A = arith.cmpi ne, %sign3A_259, %sign3A_266 : i32
          %rem3A = arith.remsi %get3A_239, %jit3A_253 : i32
          %ne3A_267 = arith.constant 0 : i32
          %ne3A_268 = arith.cmpi ne, %rem3A, %ne3A_267 : i32
          %and3A_269 = arith.andi %ne3A, %ne3A_268 : i1
          %sub3A_270 = arith.constant 1 : i32
          %sub3A_271 = arith.subi %div3A, %sub3A_270 : i32
          %select_n3A_272 = arith.select %and3A_269, %sub3A_271, %div3A : i32
          %mul3A_273 = arith.constant 128 : i32
          %mul3A_274 = arith.muli %select_n3A_272, %mul3A_273 : i32
          %mul3A_275 = arith.constant 128 : i32
          %mul3A_276 = arith.muli %while3A_232, %mul3A_275 : i32
          %dma_start3A_277 = arith.constant 0 : i32
          %dma_start3A_278 = tpu.memref_slice %arg26[%dma_start3A_277, %mul3A_276] : memref<64x16384xf32, #tpu.memory_space<vmem>> -> memref<64x128xf32, #tpu.memory_space<vmem>>
          %dma_start3A_279 = arith.constant 0 : i32
          %dma_start3A_280 = tpu.memref_slice %arg9[%dma_start3A_279, %mul3A_274] : memref<64x320000xf32, #tpu.memory_space<any>> -> memref<64x128xf32, #tpu.memory_space<any>>
          tpu.enqueue_dma source(%dma_start3A_280 : memref<64x128xf32, #tpu.memory_space<any>>) target(%dma_start3A_278 : memref<64x128xf32, #tpu.memory_space<vmem>>) target_semaphore(%arg28 : memref<!tpu.dma_semaphore, #tpu.memory_space<semaphore_mem>>)
        } else {
        }
        %lt3A_247 = arith.constant 128 : i32
        %lt3A_248 = arith.cmpi slt, %while3A_232, %lt3A_247 : i32
        %jit3A_249 = arith.constant 1 : i32
        %jit3A_250 = arith.constant 0 : i32
        %select_n3A_251 = arith.select %lt3A_248, %jit3A_249, %jit3A_250 : i32
        %add3A_252 = arith.addi %while3A_232, %select_n3A_251 : i32
        scf.yield %add3A_252 : i32
      }
      %while3A_229 = arith.constant 1 : i32
      %while3A_230 = scf.for %while3A_231 = %while3A_226 to %while3A_222 step %while3A_229 iter_args(%while3A_232 = %while3A_228) -> (i32)  : i32 {
        %mul3A_233 = arith.constant 16 : i32
        %mul3A_234 = arith.muli %scan3A_216, %mul3A_233 : i32
        %add3A_235 = arith.addi %mul3A_234, %while3A_231 : i32
        %get3A_236 = arith.index_cast %add3A_235 : i32 to index
        %get3A_237 = memref.load %arg2[%get3A_236] : memref<512xi32, #tpu.memory_space<smem>>
        %get3A_238 = arith.index_cast %add3A_235 : i32 to index
        %get3A_239 = memref.load %arg3[%get3A_238] : memref<512xi32, #tpu.memory_space<smem>>
        %dma_start3A_240 = arith.constant 0 : i32
        %dma_start3A_241 = tpu.memref_slice %arg22[%add3A_235, %dma_start3A_240] : memref<512x128xf32, #tpu.memory_space<vmem>> -> memref<1x128xf32, #tpu.memory_space<vmem>>
        %dma_start3A_242 = arith.constant 0 : i32
        %dma_start3A_243 = tpu.memref_slice %arg8[%get3A_237, %dma_start3A_242] : memref<10000x128xf32, #tpu.memory_space<any>> -> memref<1x128xf32, #tpu.memory_space<any>>
        tpu.enqueue_dma source(%dma_start3A_243 : memref<1x128xf32, #tpu.memory_space<any>>) target(%dma_start3A_241 : memref<1x128xf32, #tpu.memory_space<vmem>>) target_semaphore(%arg27 : memref<!tpu.dma_semaphore, #tpu.memory_space<semaphore_mem>>)
        %lt3A_244 = arith.constant 128 : i32
        %lt3A_245 = arith.cmpi slt, %while3A_232, %lt3A_244 : i32
        %convert_element_type3A = arith.extui %lt3A_245 : i1 to i32
        %cond3A = arith.constant 0 : i32
        %cond3A_246 = arith.cmpi ne, %convert_element_type3A, %cond3A : i32
        scf.if %cond3A_246 {
          %jit3A_253 = arith.constant 128 : i32
          %div3A = arith.divsi %get3A_239, %jit3A_253 : i32
          %sign3A = arith.constant 0 : i32
          %sign3A_254 = arith.cmpi sgt, %get3A_239, %sign3A : i32
          %sign3A_255 = arith.extui %sign3A_254 : i1 to i32
          %sign3A_256 = arith.constant 0 : i32
          %sign3A_257 = arith.cmpi slt, %get3A_239, %sign3A_256 : i32
          %sign3A_258 = arith.extui %sign3A_257 : i1 to i32
          %sign3A_259 = arith.subi %sign3A_255, %sign3A_258 : i32
          %sign3A_260 = arith.constant 0 : i32
          %sign3A_261 = arith.cmpi sgt, %jit3A_253, %sign3A_260 : i32
          %sign3A_262 = arith.extui %sign3A_261 : i1 to i32
          %sign3A_263 = arith.constant 0 : i32
          %sign3A_264 = arith.cmpi slt, %jit3A_253, %sign3A_263 : i32
          %sign3A_265 = arith.extui %sign3A_264 : i1 to i32
          %sign3A_266 = arith.subi %sign3A_262, %sign3A_265 : i32
          %ne3A = arith.cmpi ne, %sign3A_259, %sign3A_266 : i32
          %rem3A = arith.remsi %get3A_239, %jit3A_253 : i32
          %ne3A_267 = arith.constant 0 : i32
          %ne3A_268 = arith.cmpi ne, %rem3A, %ne3A_267 : i32
          %and3A_269 = arith.andi %ne3A, %ne3A_268 : i1
          %sub3A_270 = arith.constant 1 : i32
          %sub3A_271 = arith.subi %div3A, %sub3A_270 : i32
          %select_n3A_272 = arith.select %and3A_269, %sub3A_271, %div3A : i32
          %mul3A_273 = arith.constant 128 : i32
          %mul3A_274 = arith.muli %select_n3A_272, %mul3A_273 : i32
          %mul3A_275 = arith.constant 128 : i32
          %mul3A_276 = arith.muli %while3A_232, %mul3A_275 : i32
          %dma_start3A_277 = arith.constant 0 : i32
          %dma_start3A_278 = tpu.memref_slice %arg26[%dma_start3A_277, %mul3A_276] : memref<64x16384xf32, #tpu.memory_space<vmem>> -> memref<64x128xf32, #tpu.memory_space<vmem>>
          %dma_start3A_279 = arith.constant 0 : i32
          %dma_start3A_280 = tpu.memref_slice %arg9[%dma_start3A_279, %mul3A_274] : memref<64x320000xf32, #tpu.memory_space<any>> -> memref<64x128xf32, #tpu.memory_space<any>>
          tpu.enqueue_dma source(%dma_start3A_280 : memref<64x128xf32, #tpu.memory_space<any>>) target(%dma_start3A_278 : memref<64x128xf32, #tpu.memory_space<vmem>>) target_semaphore(%arg28 : memref<!tpu.dma_semaphore, #tpu.memory_space<semaphore_mem>>)
        } else {
        }
        %lt3A_247 = arith.constant 128 : i32
        %lt3A_248 = arith.cmpi slt, %while3A_232, %lt3A_247 : i32
        %jit3A_249 = arith.constant 1 : i32
        %jit3A_250 = arith.constant 0 : i32
        %select_n3A_251 = arith.select %lt3A_248, %jit3A_249, %jit3A_250 : i32
        %add3A_252 = arith.addi %while3A_232, %select_n3A_251 : i32
        scf.yield %add3A_252 : i32
      }
      scf.yield %while3A_230 : i32
    }
    %scan3A_28 = arith.constant 32 : i32
    %dma_wait3A = arith.constant 0 : i32
    %dma_wait3A_29 = arith.constant 0 : i32
    %dma_wait3A_30 = tpu.memref_slice %arg24[%dma_wait3A, %dma_wait3A_29] : memref<2x128xf32, #tpu.memory_space<vmem>> -> memref<1x128xf32, #tpu.memory_space<vmem>>
    %dma_wait3A_31 = arith.constant 0 : i32
    %dma_wait3A_32 = tpu.memref_slice %arg8[%get3A_8, %dma_wait3A_31] : memref<10000x128xf32, #tpu.memory_space<any>> -> memref<1x128xf32, #tpu.memory_space<any>>
    tpu.wait_dma2 semaphore(%arg27 : memref<!tpu.dma_semaphore, #tpu.memory_space<semaphore_mem>>) src(%dma_wait3A_32 : memref<1x128xf32, #tpu.memory_space<any>>) dst(%dma_wait3A_30 : memref<1x128xf32, #tpu.memory_space<vmem>>)
    %dma_wait3A_33 = arith.constant 1 : i32
    %dma_wait3A_34 = arith.constant 0 : i32
    %dma_wait3A_35 = tpu.memref_slice %arg24[%dma_wait3A_33, %dma_wait3A_34] : memref<2x128xf32, #tpu.memory_space<vmem>> -> memref<1x128xf32, #tpu.memory_space<vmem>>
    %dma_wait3A_36 = arith.constant 0 : i32
    %dma_wait3A_37 = tpu.memref_slice %arg8[%get3A_10, %dma_wait3A_36] : memref<10000x128xf32, #tpu.memory_space<any>> -> memref<1x128xf32, #tpu.memory_space<any>>
    tpu.wait_dma2 semaphore(%arg27 : memref<!tpu.dma_semaphore, #tpu.memory_space<semaphore_mem>>) src(%dma_wait3A_37 : memref<1x128xf32, #tpu.memory_space<any>>) dst(%dma_wait3A_35 : memref<1x128xf32, #tpu.memory_space<vmem>>)
    %dma_wait3A_38 = arith.constant 0 : i32
    %dma_wait3A_39 = arith.constant 0 : i32
    %dma_wait3A_40 = tpu.memref_slice %arg9[%dma_wait3A_38, %dma_wait3A_39] : memref<64x320000xf32, #tpu.memory_space<any>> -> memref<64x128xf32, #tpu.memory_space<any>>
    tpu.wait_dma2 semaphore(%arg28 : memref<!tpu.dma_semaphore, #tpu.memory_space<semaphore_mem>>) src(%dma_wait3A_40 : memref<64x128xf32, #tpu.memory_space<any>>) dst(%arg25 : memref<64x128xf32, #tpu.memory_space<vmem>>)
    %scan3A_41 = arith.constant 0 : i32
    %scan3A_42 = arith.constant 0 : i32
    %scan3A_43 = arith.constant 32 : i32
    %scan3A_44 = arith.addi %scan3A_42, %scan3A_43 : i32
    %scan3A_45 = arith.constant 1 : i32
    %scan3A_46 = scf.for %scan3A_216 = %scan3A_42 to %scan3A_44 step %scan3A_45 iter_args(%scan3A_217 = %scan3A_41) -> (i32)  : i32 {
      %get3A_218 = arith.index_cast %scan3A_216 : i32 to index
      %get3A_219 = arith.constant 0 : index
      %get3A_220 = memref.load %arg1[%get3A_218, %get3A_219] : memref<32x16xi32, #tpu.memory_space<smem>>
      %while3A = arith.constant 0 : i32
      %while3A_221 = arith.subi %get3A_220, %while3A : i32
      %while3A_222 = arith.addi %while3A, %while3A_221 : i32
      %while3A_223 = arith.constant 1 : i32
      %while3A_224 = arith.divsi %while3A_221, %while3A_223 : i32
      %while3A_225 = arith.muli %while3A_224, %while3A_223 : i32
      %while3A_226 = arith.addi %while3A, %while3A_225 : i32
      %while3A_227 = arith.constant 1 : i32
      %while3A_228 = scf.for %while3A_231 = %while3A to %while3A_226 step %while3A_227 iter_args(%while3A_232 = %scan3A_217) -> (i32)  : i32 {
        %mul3A_233 = arith.constant 16 : i32
        %mul3A_234 = arith.muli %scan3A_216, %mul3A_233 : i32
        %add3A_235 = arith.addi %mul3A_234, %while3A_231 : i32
        %get3A_236 = arith.index_cast %add3A_235 : i32 to index
        %get3A_237 = memref.load %arg2[%get3A_236] : memref<512xi32, #tpu.memory_space<smem>>
        %get3A_238 = arith.index_cast %add3A_235 : i32 to index
        %get3A_239 = memref.load %arg3[%get3A_238] : memref<512xi32, #tpu.memory_space<smem>>
        %dma_wait3A_240 = arith.constant 0 : i32
        %dma_wait3A_241 = tpu.memref_slice %arg22[%add3A_235, %dma_wait3A_240] : memref<512x128xf32, #tpu.memory_space<vmem>> -> memref<1x128xf32, #tpu.memory_space<vmem>>
        %dma_wait3A_242 = arith.constant 0 : i32
        %dma_wait3A_243 = tpu.memref_slice %arg8[%get3A_237, %dma_wait3A_242] : memref<10000x128xf32, #tpu.memory_space<any>> -> memref<1x128xf32, #tpu.memory_space<any>>
        tpu.wait_dma2 semaphore(%arg27 : memref<!tpu.dma_semaphore, #tpu.memory_space<semaphore_mem>>) src(%dma_wait3A_243 : memref<1x128xf32, #tpu.memory_space<any>>) dst(%dma_wait3A_241 : memref<1x128xf32, #tpu.memory_space<vmem>>)
        %lt3A_244 = arith.constant 128 : i32
        %lt3A_245 = arith.cmpi slt, %while3A_232, %lt3A_244 : i32
        %convert_element_type3A = arith.extui %lt3A_245 : i1 to i32
        %cond3A = arith.constant 0 : i32
        %cond3A_246 = arith.cmpi ne, %convert_element_type3A, %cond3A : i32
        scf.if %cond3A_246 {
          %jit3A_253 = arith.constant 128 : i32
          %div3A = arith.divsi %get3A_239, %jit3A_253 : i32
          %sign3A = arith.constant 0 : i32
          %sign3A_254 = arith.cmpi sgt, %get3A_239, %sign3A : i32
          %sign3A_255 = arith.extui %sign3A_254 : i1 to i32
          %sign3A_256 = arith.constant 0 : i32
          %sign3A_257 = arith.cmpi slt, %get3A_239, %sign3A_256 : i32
          %sign3A_258 = arith.extui %sign3A_257 : i1 to i32
          %sign3A_259 = arith.subi %sign3A_255, %sign3A_258 : i32
          %sign3A_260 = arith.constant 0 : i32
          %sign3A_261 = arith.cmpi sgt, %jit3A_253, %sign3A_260 : i32
          %sign3A_262 = arith.extui %sign3A_261 : i1 to i32
          %sign3A_263 = arith.constant 0 : i32
          %sign3A_264 = arith.cmpi slt, %jit3A_253, %sign3A_263 : i32
          %sign3A_265 = arith.extui %sign3A_264 : i1 to i32
          %sign3A_266 = arith.subi %sign3A_262, %sign3A_265 : i32
          %ne3A = arith.cmpi ne, %sign3A_259, %sign3A_266 : i32
          %rem3A = arith.remsi %get3A_239, %jit3A_253 : i32
          %ne3A_267 = arith.constant 0 : i32
          %ne3A_268 = arith.cmpi ne, %rem3A, %ne3A_267 : i32
          %and3A_269 = arith.andi %ne3A, %ne3A_268 : i1
          %sub3A_270 = arith.constant 1 : i32
          %sub3A_271 = arith.subi %div3A, %sub3A_270 : i32
          %select_n3A_272 = arith.select %and3A_269, %sub3A_271, %div3A : i32
          %mul3A_273 = arith.constant 128 : i32
          %mul3A_274 = arith.muli %select_n3A_272, %mul3A_273 : i32
          %mul3A_275 = arith.constant 128 : i32
          %mul3A_276 = arith.muli %while3A_232, %mul3A_275 : i32
          %dma_wait3A_277 = arith.constant 0 : i32
          %dma_wait3A_278 = tpu.memref_slice %arg26[%dma_wait3A_277, %mul3A_276] : memref<64x16384xf32, #tpu.memory_space<vmem>> -> memref<64x128xf32, #tpu.memory_space<vmem>>
          %dma_wait3A_279 = arith.constant 0 : i32
          %dma_wait3A_280 = tpu.memref_slice %arg9[%dma_wait3A_279, %mul3A_274] : memref<64x320000xf32, #tpu.memory_space<any>> -> memref<64x128xf32, #tpu.memory_space<any>>
          tpu.wait_dma2 semaphore(%arg28 : memref<!tpu.dma_semaphore, #tpu.memory_space<semaphore_mem>>) src(%dma_wait3A_280 : memref<64x128xf32, #tpu.memory_space<any>>) dst(%dma_wait3A_278 : memref<64x128xf32, #tpu.memory_space<vmem>>)
        } else {
        }
        %lt3A_247 = arith.constant 128 : i32
        %lt3A_248 = arith.cmpi slt, %while3A_232, %lt3A_247 : i32
        %jit3A_249 = arith.constant 1 : i32
        %jit3A_250 = arith.constant 0 : i32
        %select_n3A_251 = arith.select %lt3A_248, %jit3A_249, %jit3A_250 : i32
        %add3A_252 = arith.addi %while3A_232, %select_n3A_251 : i32
        scf.yield %add3A_252 : i32
      }
      %while3A_229 = arith.constant 1 : i32
      %while3A_230 = scf.for %while3A_231 = %while3A_226 to %while3A_222 step %while3A_229 iter_args(%while3A_232 = %while3A_228) -> (i32)  : i32 {
        %mul3A_233 = arith.constant 16 : i32
        %mul3A_234 = arith.muli %scan3A_216, %mul3A_233 : i32
        %add3A_235 = arith.addi %mul3A_234, %while3A_231 : i32
        %get3A_236 = arith.index_cast %add3A_235 : i32 to index
        %get3A_237 = memref.load %arg2[%get3A_236] : memref<512xi32, #tpu.memory_space<smem>>
        %get3A_238 = arith.index_cast %add3A_235 : i32 to index
        %get3A_239 = memref.load %arg3[%get3A_238] : memref<512xi32, #tpu.memory_space<smem>>
        %dma_wait3A_240 = arith.constant 0 : i32
        %dma_wait3A_241 = tpu.memref_slice %arg22[%add3A_235, %dma_wait3A_240] : memref<512x128xf32, #tpu.memory_space<vmem>> -> memref<1x128xf32, #tpu.memory_space<vmem>>
        %dma_wait3A_242 = arith.constant 0 : i32
        %dma_wait3A_243 = tpu.memref_slice %arg8[%get3A_237, %dma_wait3A_242] : memref<10000x128xf32, #tpu.memory_space<any>> -> memref<1x128xf32, #tpu.memory_space<any>>
        tpu.wait_dma2 semaphore(%arg27 : memref<!tpu.dma_semaphore, #tpu.memory_space<semaphore_mem>>) src(%dma_wait3A_243 : memref<1x128xf32, #tpu.memory_space<any>>) dst(%dma_wait3A_241 : memref<1x128xf32, #tpu.memory_space<vmem>>)
        %lt3A_244 = arith.constant 128 : i32
        %lt3A_245 = arith.cmpi slt, %while3A_232, %lt3A_244 : i32
        %convert_element_type3A = arith.extui %lt3A_245 : i1 to i32
        %cond3A = arith.constant 0 : i32
        %cond3A_246 = arith.cmpi ne, %convert_element_type3A, %cond3A : i32
        scf.if %cond3A_246 {
          %jit3A_253 = arith.constant 128 : i32
          %div3A = arith.divsi %get3A_239, %jit3A_253 : i32
          %sign3A = arith.constant 0 : i32
          %sign3A_254 = arith.cmpi sgt, %get3A_239, %sign3A : i32
          %sign3A_255 = arith.extui %sign3A_254 : i1 to i32
          %sign3A_256 = arith.constant 0 : i32
          %sign3A_257 = arith.cmpi slt, %get3A_239, %sign3A_256 : i32
          %sign3A_258 = arith.extui %sign3A_257 : i1 to i32
          %sign3A_259 = arith.subi %sign3A_255, %sign3A_258 : i32
          %sign3A_260 = arith.constant 0 : i32
          %sign3A_261 = arith.cmpi sgt, %jit3A_253, %sign3A_260 : i32
          %sign3A_262 = arith.extui %sign3A_261 : i1 to i32
          %sign3A_263 = arith.constant 0 : i32
          %sign3A_264 = arith.cmpi slt, %jit3A_253, %sign3A_263 : i32
          %sign3A_265 = arith.extui %sign3A_264 : i1 to i32
          %sign3A_266 = arith.subi %sign3A_262, %sign3A_265 : i32
          %ne3A = arith.cmpi ne, %sign3A_259, %sign3A_266 : i32
          %rem3A = arith.remsi %get3A_239, %jit3A_253 : i32
          %ne3A_267 = arith.constant 0 : i32
          %ne3A_268 = arith.cmpi ne, %rem3A, %ne3A_267 : i32
          %and3A_269 = arith.andi %ne3A, %ne3A_268 : i1
          %sub3A_270 = arith.constant 1 : i32
          %sub3A_271 = arith.subi %div3A, %sub3A_270 : i32
          %select_n3A_272 = arith.select %and3A_269, %sub3A_271, %div3A : i32
          %mul3A_273 = arith.constant 128 : i32
          %mul3A_274 = arith.muli %select_n3A_272, %mul3A_273 : i32
          %mul3A_275 = arith.constant 128 : i32
          %mul3A_276 = arith.muli %while3A_232, %mul3A_275 : i32
          %dma_wait3A_277 = arith.constant 0 : i32
          %dma_wait3A_278 = tpu.memref_slice %arg26[%dma_wait3A_277, %mul3A_276] : memref<64x16384xf32, #tpu.memory_space<vmem>> -> memref<64x128xf32, #tpu.memory_space<vmem>>
          %dma_wait3A_279 = arith.constant 0 : i32
          %dma_wait3A_280 = tpu.memref_slice %arg9[%dma_wait3A_279, %mul3A_274] : memref<64x320000xf32, #tpu.memory_space<any>> -> memref<64x128xf32, #tpu.memory_space<any>>
          tpu.wait_dma2 semaphore(%arg28 : memref<!tpu.dma_semaphore, #tpu.memory_space<semaphore_mem>>) src(%dma_wait3A_280 : memref<64x128xf32, #tpu.memory_space<any>>) dst(%dma_wait3A_278 : memref<64x128xf32, #tpu.memory_space<vmem>>)
        } else {
        }
        %lt3A_247 = arith.constant 128 : i32
        %lt3A_248 = arith.cmpi slt, %while3A_232, %lt3A_247 : i32
        %jit3A_249 = arith.constant 1 : i32
        %jit3A_250 = arith.constant 0 : i32
        %select_n3A_251 = arith.select %lt3A_248, %jit3A_249, %jit3A_250 : i32
        %add3A_252 = arith.addi %while3A_232, %select_n3A_251 : i32
        scf.yield %add3A_252 : i32
      }
      scf.yield %while3A_230 : i32
    }
    %scan3A_47 = arith.constant 32 : i32
    %scan3A_48 = arith.constant 0 : i32
    %scan3A_49 = arith.constant 0 : i32
    %scan3A_50 = arith.constant 32 : i32
    %scan3A_51 = arith.addi %scan3A_49, %scan3A_50 : i32
    %scan3A_52 = arith.constant 1 : i32
    %scan3A_53 = scf.for %scan3A_216 = %scan3A_49 to %scan3A_51 step %scan3A_52 iter_args(%scan3A_217 = %scan3A_48) -> (i32)  : i32 {
      %get3A_218 = arith.index_cast %scan3A_216 : i32 to index
      %get3A_219 = arith.constant 0 : index
      %get3A_220 = memref.load %arg1[%get3A_218, %get3A_219] : memref<32x16xi32, #tpu.memory_space<smem>>
      %while3A = arith.constant 0 : i32
      %while3A_221 = arith.subi %get3A_220, %while3A : i32
      %while3A_222 = arith.addi %while3A, %while3A_221 : i32
      %while3A_223 = arith.constant 1 : i32
      %while3A_224 = arith.divsi %while3A_221, %while3A_223 : i32
      %while3A_225 = arith.muli %while3A_224, %while3A_223 : i32
      %while3A_226 = arith.addi %while3A, %while3A_225 : i32
      %while3A_227 = arith.constant 1 : i32
      %while3A_228 = scf.for %while3A_231 = %while3A to %while3A_226 step %while3A_227 iter_args(%while3A_232 = %scan3A_217) -> (i32)  : i32 {
        %mul3A_233 = arith.constant 16 : i32
        %mul3A_234 = arith.muli %scan3A_216, %mul3A_233 : i32
        %add3A_235 = arith.addi %mul3A_234, %while3A_231 : i32
        %get3A_236 = arith.index_cast %add3A_235 : i32 to index
        %get3A_237 = memref.load %arg3[%get3A_236] : memref<512xi32, #tpu.memory_space<smem>>
        %lt3A_238 = arith.constant 128 : i32
        %lt3A_239 = arith.cmpi slt, %while3A_232, %lt3A_238 : i32
        %convert_element_type3A = arith.extui %lt3A_239 : i1 to i32
        %cond3A = arith.constant 0 : i32
        %cond3A_240 = arith.cmpi ne, %convert_element_type3A, %cond3A : i32
        scf.if %cond3A_240 {
          %mul3A_247 = arith.constant 128 : i32
          %mul3A_248 = arith.muli %while3A_232, %mul3A_247 : i32
          %get3A_249 = arith.constant 0 : index
          %get3A_250 = arith.index_cast %mul3A_248 : i32 to index
          %get3A_251 = vector.load %arg26[%get3A_249, %get3A_250] : memref<64x16384xf32, #tpu.memory_space<vmem>>, vector<64x128xf32>
          %jit3A_252 = arith.constant 128 : i32
          %eq3A_253 = arith.constant 0 : i32
          %eq3A_254 = arith.cmpi eq, %jit3A_252, %eq3A_253 : i32
          %jit3A_255 = arith.constant 1 : i32
          %select_n3A_256 = arith.select %eq3A_254, %jit3A_255, %jit3A_252 : i32
          %rem3A = arith.remsi %get3A_237, %select_n3A_256 : i32
          %ne3A = arith.constant 0 : i32
          %ne3A_257 = arith.cmpi ne, %rem3A, %ne3A : i32
          %lt3A_258 = arith.constant 0 : i32
          %lt3A_259 = arith.cmpi slt, %rem3A, %lt3A_258 : i32
          %lt3A_260 = arith.constant 0 : i32
          %lt3A_261 = arith.cmpi slt, %select_n3A_256, %lt3A_260 : i32
          %ne3A_262 = arith.xori %lt3A_259, %lt3A_261 : i1
          %and3A_263 = arith.andi %ne3A_262, %ne3A_257 : i1
          %add3A_264 = arith.addi %rem3A, %select_n3A_256 : i32
          %select_n3A_265 = arith.select %and3A_263, %add3A_264, %rem3A : i32
          %neg3A = arith.constant 0 : i32
          %neg3A_266 = arith.subi %neg3A, %select_n3A_265 : i32
          %roll3A = tpu.dynamic_rotate %get3A_251 by %neg3A_266 dim 1 : vector<64x128xf32>, i32 -> vector<64x128xf32>
          %slice3A = vector.extract_strided_slice %roll3A {offsets = [0, 0], sizes = [64, 1], strides = [1, 1]} : vector<64x128xf32> to vector<64x1xf32>
          %reshape3A = vector.shape_cast %slice3A : vector<64x1xf32> to vector<1x64xf32>
          %swap3A_267 = arith.index_cast %add3A_235 : i32 to index
          %swap3A_268 = arith.constant 0 : index
          %swap3A_269 = vector.load %arg23[%swap3A_267, %swap3A_268] : memref<512x64xf32, #tpu.memory_space<vmem>>, vector<1x64xf32>
          tpu.vector_store %arg23[%swap3A_267, %swap3A_268], %reshape3A {strides = array<i32>} : memref<512x64xf32, #tpu.memory_space<vmem>>, vector<1x64xf32>,
        } else {
        }
        %lt3A_241 = arith.constant 128 : i32
        %lt3A_242 = arith.cmpi slt, %while3A_232, %lt3A_241 : i32
        %jit3A_243 = arith.constant 1 : i32
        %jit3A_244 = arith.constant 0 : i32
        %select_n3A_245 = arith.select %lt3A_242, %jit3A_243, %jit3A_244 : i32
        %add3A_246 = arith.addi %while3A_232, %select_n3A_245 : i32
        scf.yield %add3A_246 : i32
      }
      %while3A_229 = arith.constant 1 : i32
      %while3A_230 = scf.for %while3A_231 = %while3A_226 to %while3A_222 step %while3A_229 iter_args(%while3A_232 = %while3A_228) -> (i32)  : i32 {
        %mul3A_233 = arith.constant 16 : i32
        %mul3A_234 = arith.muli %scan3A_216, %mul3A_233 : i32
        %add3A_235 = arith.addi %mul3A_234, %while3A_231 : i32
        %get3A_236 = arith.index_cast %add3A_235 : i32 to index
        %get3A_237 = memref.load %arg3[%get3A_236] : memref<512xi32, #tpu.memory_space<smem>>
        %lt3A_238 = arith.constant 128 : i32
        %lt3A_239 = arith.cmpi slt, %while3A_232, %lt3A_238 : i32
        %convert_element_type3A = arith.extui %lt3A_239 : i1 to i32
        %cond3A = arith.constant 0 : i32
        %cond3A_240 = arith.cmpi ne, %convert_element_type3A, %cond3A : i32
        scf.if %cond3A_240 {
          %mul3A_247 = arith.constant 128 : i32
          %mul3A_248 = arith.muli %while3A_232, %mul3A_247 : i32
          %get3A_249 = arith.constant 0 : index
          %get3A_250 = arith.index_cast %mul3A_248 : i32 to index
          %get3A_251 = vector.load %arg26[%get3A_249, %get3A_250] : memref<64x16384xf32, #tpu.memory_space<vmem>>, vector<64x128xf32>
          %jit3A_252 = arith.constant 128 : i32
          %eq3A_253 = arith.constant 0 : i32
          %eq3A_254 = arith.cmpi eq, %jit3A_252, %eq3A_253 : i32
          %jit3A_255 = arith.constant 1 : i32
          %select_n3A_256 = arith.select %eq3A_254, %jit3A_255, %jit3A_252 : i32
          %rem3A = arith.remsi %get3A_237, %select_n3A_256 : i32
          %ne3A = arith.constant 0 : i32
          %ne3A_257 = arith.cmpi ne, %rem3A, %ne3A : i32
          %lt3A_258 = arith.constant 0 : i32
          %lt3A_259 = arith.cmpi slt, %rem3A, %lt3A_258 : i32
          %lt3A_260 = arith.constant 0 : i32
          %lt3A_261 = arith.cmpi slt, %select_n3A_256, %lt3A_260 : i32
          %ne3A_262 = arith.xori %lt3A_259, %lt3A_261 : i1
          %and3A_263 = arith.andi %ne3A_262, %ne3A_257 : i1
          %add3A_264 = arith.addi %rem3A, %select_n3A_256 : i32
          %select_n3A_265 = arith.select %and3A_263, %add3A_264, %rem3A : i32
          %neg3A = arith.constant 0 : i32
          %neg3A_266 = arith.subi %neg3A, %select_n3A_265 : i32
          %roll3A = tpu.dynamic_rotate %get3A_251 by %neg3A_266 dim 1 : vector<64x128xf32>, i32 -> vector<64x128xf32>
          %slice3A = vector.extract_strided_slice %roll3A {offsets = [0, 0], sizes = [64, 1], strides = [1, 1]} : vector<64x128xf32> to vector<64x1xf32>
          %reshape3A = vector.shape_cast %slice3A : vector<64x1xf32> to vector<1x64xf32>
          %swap3A_267 = arith.index_cast %add3A_235 : i32 to index
          %swap3A_268 = arith.constant 0 : index
          %swap3A_269 = vector.load %arg23[%swap3A_267, %swap3A_268] : memref<512x64xf32, #tpu.memory_space<vmem>>, vector<1x64xf32>
          tpu.vector_store %arg23[%swap3A_267, %swap3A_268], %reshape3A {strides = array<i32>} : memref<512x64xf32, #tpu.memory_space<vmem>>, vector<1x64xf32>,
        } else {
        }
        %lt3A_241 = arith.constant 128 : i32
        %lt3A_242 = arith.cmpi slt, %while3A_232, %lt3A_241 : i32
        %jit3A_243 = arith.constant 1 : i32
        %jit3A_244 = arith.constant 0 : i32
        %select_n3A_245 = arith.select %lt3A_242, %jit3A_243, %jit3A_244 : i32
        %add3A_246 = arith.addi %while3A_232, %select_n3A_245 : i32
        scf.yield %add3A_246 : i32
      }
      scf.yield %while3A_230 : i32
    }
    %scan3A_54 = arith.constant 32 : i32
    %get3A_55 = arith.constant 0 : index
    %get3A_56 = arith.constant 0 : index
    %get3A_57 = memref.load %arg0[%get3A_55, %get3A_56] : memref<1x2xf32, #tpu.memory_space<smem>>
    %get3A_58 = arith.constant 0 : index
    %get3A_59 = arith.constant 1 : index
    %get3A_60 = memref.load %arg0[%get3A_58, %get3A_59] : memref<1x2xf32, #tpu.memory_space<smem>>
    %get3A_61 = arith.constant 0 : index
    %get3A_62 = arith.constant 0 : index
    %get3A_63 = vector.load %arg7[%get3A_61, %get3A_62] : memref<512x1xf32, #tpu.memory_space<vmem>>, vector<512x1xf32>
    %get3A_64 = arith.constant 0 : index
    %get3A_65 = arith.constant 0 : index
    %get3A_66 = vector.load %arg10[%get3A_64, %get3A_65] : memref<1x32xf32, #tpu.memory_space<vmem>>, vector<1x32xf32>
    %mul3A = vector.broadcast %get3A_63 : vector<512x1xf32> to vector<512x32xf32>
    %mul3A_67 = vector.broadcast %get3A_66 : vector<1x32xf32> to vector<512x32xf32>
    %mul3A_68 = arith.mulf %mul3A, %mul3A_67 : vector<512x32xf32>
    %cos3A = math.cos %mul3A_68 : vector<512x32xf32>
    %get3A_69 = arith.constant 0 : index
    %get3A_70 = arith.constant 0 : index
    %get3A_71 = vector.load %arg22[%get3A_69, %get3A_70] : memref<512x128xf32, #tpu.memory_space<vmem>>, vector<512x128xf32>
    %get3A_72 = arith.constant 0 : index
    %get3A_73 = arith.constant 0 : index
    %get3A_74 = vector.load %arg11[%get3A_72, %get3A_73] : memref<128x128xf32, #tpu.memory_space<vmem>>, vector<128x128xf32>
    %dot_general3A = arith.constant dense<0.000000e+00> : vector<512x128xf32>
    %dot_general3A_75 = tpu.matmul %get3A_71, %get3A_74, %dot_general3A {dimension_numbers = #tpu.dot_dimension_numbers<[1], [0], [0], [1], [0, 0, 1, 1], [], []>, transpose_lhs_hint = false} : vector<512x128xf32>, vector<128x128xf32>, vector<512x128xf32> -> vector<512x128xf32>
    %get3A_76 = arith.constant 0 : index
    %get3A_77 = arith.constant 0 : index
    %get3A_78 = vector.load %arg12[%get3A_76, %get3A_77] : memref<32x128xf32, #tpu.memory_space<vmem>>, vector<32x128xf32>
    %dot_general3A_79 = arith.constant dense<0.000000e+00> : vector<512x128xf32>
    %dot_general3A_80 = tpu.matmul %cos3A, %get3A_78, %dot_general3A_79 {dimension_numbers = #tpu.dot_dimension_numbers<[1], [0], [0], [1], [0, 0, 1, 1], [], []>, transpose_lhs_hint = false} : vector<512x32xf32>, vector<32x128xf32>, vector<512x128xf32> -> vector<512x128xf32>
    %add3A = arith.addf %dot_general3A_75, %dot_general3A_80 : vector<512x128xf32>
    %get3A_81 = arith.constant 0 : index
    %get3A_82 = arith.constant 0 : index
    %get3A_83 = vector.load %arg23[%get3A_81, %get3A_82] : memref<512x64xf32, #tpu.memory_space<vmem>>, vector<512x64xf32>
    %get3A_84 = arith.constant 0 : index
    %get3A_85 = arith.constant 0 : index
    %get3A_86 = vector.load %arg13[%get3A_84, %get3A_85] : memref<64x128xf32, #tpu.memory_space<vmem>>, vector<64x128xf32>
    %dot_general3A_87 = arith.constant dense<0.000000e+00> : vector<512x128xf32>
    %dot_general3A_88 = tpu.matmul %get3A_83, %get3A_86, %dot_general3A_87 {dimension_numbers = #tpu.dot_dimension_numbers<[1], [0], [0], [1], [0, 0, 1, 1], [], []>, transpose_lhs_hint = false} : vector<512x64xf32>, vector<64x128xf32>, vector<512x128xf32> -> vector<512x128xf32>
    %add3A_89 = arith.addf %add3A, %dot_general3A_88 : vector<512x128xf32>
    %get3A_90 = arith.constant 0 : index
    %get3A_91 = arith.constant 0 : index
    %get3A_92 = vector.load %arg14[%get3A_90, %get3A_91] : memref<1x128xf32, #tpu.memory_space<vmem>>, vector<1x128xf32>
    %add3A_93 = vector.broadcast %get3A_92 : vector<1x128xf32> to vector<512x128xf32>
    %add3A_94 = arith.addf %add3A_89, %add3A_93 : vector<512x128xf32>
    %max3A = arith.constant 0.000000e+00 : f32
    %max3A_95 = vector.broadcast %max3A : f32 to vector<512x128xf32>
    %max3A_96 = arith.maximumf %add3A_94, %max3A_95 : vector<512x128xf32>
    %get3A_97 = arith.constant 0 : index
    %get3A_98 = arith.constant 0 : index
    %get3A_99 = vector.load %arg5[%get3A_97, %get3A_98] : memref<1x512xf32, #tpu.memory_space<vmem>>, vector<1x512xf32>
    %dot_general3A_100 = arith.constant dense<0.000000e+00> : vector<1x128xf32>
    %dot_general3A_101 = tpu.matmul %get3A_99, %max3A_96, %dot_general3A_100 {dimension_numbers = #tpu.dot_dimension_numbers<[1], [0], [0], [1], [0, 0, 1, 1], [], []>, transpose_lhs_hint = false} : vector<1x512xf32>, vector<512x128xf32>, vector<1x128xf32> -> vector<1x128xf32>
    %get3A_102 = arith.constant 0 : index
    %get3A_103 = arith.constant 0 : index
    %get3A_104 = vector.load %arg6[%get3A_102, %get3A_103] : memref<1x512xf32, #tpu.memory_space<vmem>>, vector<1x512xf32>
    %dot_general3A_105 = arith.constant dense<0.000000e+00> : vector<1x128xf32>
    %dot_general3A_106 = tpu.matmul %get3A_104, %max3A_96, %dot_general3A_105 {dimension_numbers = #tpu.dot_dimension_numbers<[1], [0], [0], [1], [0, 0, 1, 1], [], []>, transpose_lhs_hint = false} : vector<1x512xf32>, vector<512x128xf32>, vector<1x128xf32> -> vector<1x128xf32>
    %get3A_107 = arith.constant 0 : index
    %get3A_108 = arith.constant 0 : index
    %get3A_109 = vector.load %arg24[%get3A_107, %get3A_108] : memref<2x128xf32, #tpu.memory_space<vmem>>, vector<1x128xf32>
    %concatenate3A = tpu.concatenate %get3A_109, %dot_general3A_101 in 1 : vector<1x128xf32>, vector<1x128xf32> -> vector<1x256xf32>
    %get3A_110 = arith.constant 1 : index
    %get3A_111 = arith.constant 0 : index
    %get3A_112 = vector.load %arg24[%get3A_110, %get3A_111] : memref<2x128xf32, #tpu.memory_space<vmem>>, vector<1x128xf32>
    %concatenate3A_113 = tpu.concatenate %get3A_112, %dot_general3A_106 in 1 : vector<1x128xf32>, vector<1x128xf32> -> vector<1x256xf32>
    %get3A_114 = arith.constant 0 : index
    %get3A_115 = arith.constant 0 : index
    %get3A_116 = vector.load %arg15[%get3A_114, %get3A_115] : memref<256x128xf32, #tpu.memory_space<vmem>>, vector<256x128xf32>
    %dot_general3A_117 = arith.constant dense<0.000000e+00> : vector<1x128xf32>
    %dot_general3A_118 = tpu.matmul %concatenate3A, %get3A_116, %dot_general3A_117 {dimension_numbers = #tpu.dot_dimension_numbers<[1], [0], [0], [1], [0, 0, 1, 1], [], []>, transpose_lhs_hint = false} : vector<1x256xf32>, vector<256x128xf32>, vector<1x128xf32> -> vector<1x128xf32>
    %get3A_119 = arith.constant 0 : index
    %get3A_120 = arith.constant 0 : index
    %get3A_121 = vector.load %arg16[%get3A_119, %get3A_120] : memref<1x128xf32, #tpu.memory_space<vmem>>, vector<1x128xf32>
    %add3A_122 = arith.addf %dot_general3A_118, %get3A_121 : vector<1x128xf32>
    %max3A_123 = arith.constant 0.000000e+00 : f32
    %max3A_124 = vector.broadcast %max3A_123 : f32 to vector<1x128xf32>
    %max3A_125 = arith.maximumf %add3A_122, %max3A_124 : vector<1x128xf32>
    %get3A_126 = arith.constant 0 : index
    %get3A_127 = arith.constant 0 : index
    %get3A_128 = vector.load %arg15[%get3A_126, %get3A_127] : memref<256x128xf32, #tpu.memory_space<vmem>>, vector<256x128xf32>
    %dot_general3A_129 = arith.constant dense<0.000000e+00> : vector<1x128xf32>
    %dot_general3A_130 = tpu.matmul %concatenate3A_113, %get3A_128, %dot_general3A_129 {dimension_numbers = #tpu.dot_dimension_numbers<[1], [0], [0], [1], [0, 0, 1, 1], [], []>, transpose_lhs_hint = false} : vector<1x256xf32>, vector<256x128xf32>, vector<1x128xf32> -> vector<1x128xf32>
    %get3A_131 = arith.constant 0 : index
    %get3A_132 = arith.constant 0 : index
    %get3A_133 = vector.load %arg16[%get3A_131, %get3A_132] : memref<1x128xf32, #tpu.memory_space<vmem>>, vector<1x128xf32>
    %add3A_134 = arith.addf %dot_general3A_130, %get3A_133 : vector<1x128xf32>
    %max3A_135 = arith.constant 0.000000e+00 : f32
    %max3A_136 = vector.broadcast %max3A_135 : f32 to vector<1x128xf32>
    %max3A_137 = arith.maximumf %add3A_134, %max3A_136 : vector<1x128xf32>
    %concatenate3A_138 = tpu.concatenate %max3A_125, %max3A_137 in 1 : vector<1x128xf32>, vector<1x128xf32> -> vector<1x256xf32>
    %get3A_139 = arith.constant 0 : index
    %get3A_140 = arith.constant 0 : index
    %get3A_141 = vector.load %arg17[%get3A_139, %get3A_140] : memref<256x128xf32, #tpu.memory_space<vmem>>, vector<256x128xf32>
    %dot_general3A_142 = arith.constant dense<0.000000e+00> : vector<1x128xf32>
    %dot_general3A_143 = tpu.matmul %concatenate3A_138, %get3A_141, %dot_general3A_142 {dimension_numbers = #tpu.dot_dimension_numbers<[1], [0], [0], [1], [0, 0, 1, 1], [], []>, transpose_lhs_hint = false} : vector<1x256xf32>, vector<256x128xf32>, vector<1x128xf32> -> vector<1x128xf32>
    %get3A_144 = arith.constant 0 : index
    %get3A_145 = arith.constant 0 : index
    %get3A_146 = vector.load %arg18[%get3A_144, %get3A_145] : memref<1x128xf32, #tpu.memory_space<vmem>>, vector<1x128xf32>
    %add3A_147 = arith.addf %dot_general3A_143, %get3A_146 : vector<1x128xf32>
    %max3A_148 = arith.constant 0.000000e+00 : f32
    %max3A_149 = vector.broadcast %max3A_148 : f32 to vector<1x128xf32>
    %max3A_150 = arith.maximumf %add3A_147, %max3A_149 : vector<1x128xf32>
    %get3A_151 = arith.constant 0 : index
    %get3A_152 = arith.constant 0 : index
    %get3A_153 = vector.load %arg19[%get3A_151, %get3A_152] : memref<128x32xf32, #tpu.memory_space<vmem>>, vector<128x32xf32>
    %dot_general3A_154 = arith.constant dense<0.000000e+00> : vector<1x32xf32>
    %dot_general3A_155 = tpu.matmul %max3A_150, %get3A_153, %dot_general3A_154 {dimension_numbers = #tpu.dot_dimension_numbers<[1], [0], [0], [1], [0, 0, 1, 1], [], []>, transpose_lhs_hint = false} : vector<1x128xf32>, vector<128x32xf32>, vector<1x32xf32> -> vector<1x32xf32>
    %get3A_156 = arith.constant 0 : index
    %get3A_157 = arith.constant 0 : index
    %get3A_158 = vector.load %arg20[%get3A_156, %get3A_157] : memref<1x32xf32, #tpu.memory_space<vmem>>, vector<1x32xf32>
    %add3A_159 = arith.addf %dot_general3A_155, %get3A_158 : vector<1x32xf32>
    %get3A_160 = arith.constant 0 : index
    %get3A_161 = arith.constant 0 : index
    %get3A_162 = vector.load %arg25[%get3A_160, %get3A_161] : memref<64x128xf32, #tpu.memory_space<vmem>>, vector<64x1xf32>
    %iota3A = tpu.iota {dimensions = array<i32: 0>} : vector<64x1xi32>
    %ge3A = arith.constant 16 : i32
    %ge3A_163 = vector.broadcast %ge3A : i32 to vector<64x1xi32>
    %ge3A_164 = arith.cmpi sge, %iota3A, %ge3A_163 : vector<64x1xi32>
    %lt3A = arith.constant 48 : i32
    %lt3A_165 = vector.broadcast %lt3A : i32 to vector<64x1xi32>
    %lt3A_166 = arith.cmpi slt, %iota3A, %lt3A_165 : vector<64x1xi32>
    %and3A = arith.andi %ge3A_164, %lt3A_166 : vector<64x1xi1>
    %jit3A = arith.constant 0xFF800000 : f32
    %broadcast_in_dim3A_167 = vector.broadcast %jit3A : f32 to vector<64x1xf32>
    %select_n3A = arith.select %and3A, %get3A_162, %broadcast_in_dim3A_167 : vector<64x1xi1>, vector<64x1xf32>
    %reduce_max3A = vector.shape_cast %select_n3A : vector<64x1xf32> to vector<1x64x1xf32>
    %reduce_max3A_168 = arith.constant dense<0xFF800000> : vector<1xf32>
    %reduce_max3A_169 = vector.multi_reduction <maximumf>, %reduce_max3A, %reduce_max3A_168 [1, 2] : vector<1x64x1xf32> to vector<1xf32>
    %reduce_max3A_170 = vector.shape_cast %reduce_max3A_169 : vector<1xf32> to vector<1x1x1xf32>
    %reduce_max3A_171 = vector.extract %reduce_max3A_170[0, 0, 0] : f32 from vector<1x1x1xf32>
    %eq3A = vector.broadcast %reduce_max3A_171 : f32 to vector<64x1xf32>
    %eq3A_172 = arith.cmpf oeq, %select_n3A, %eq3A : vector<64x1xf32>
    %and3A_173 = arith.andi %eq3A_172, %and3A : vector<64x1xi1>
    %sub3A = arith.constant 16 : i32
    %sub3A_174 = vector.broadcast %sub3A : i32 to vector<64x1xi32>
    %sub3A_175 = arith.subi %iota3A, %sub3A_174 : vector<64x1xi32>
    %jit3A_176 = arith.constant 32 : i32
    %broadcast_in_dim3A_177 = vector.broadcast %jit3A_176 : i32 to vector<64x1xi32>
    %select_n3A_178 = arith.select %and3A_173, %sub3A_175, %broadcast_in_dim3A_177 : vector<64x1xi1>, vector<64x1xi32>
    %reduce_min3A = vector.shape_cast %select_n3A_178 : vector<64x1xi32> to vector<1x64x1xi32>
    %reduce_min3A_179 = arith.constant dense<2147483647> : vector<1xi32>
    %reduce_min3A_180 = vector.multi_reduction <minsi>, %reduce_min3A, %reduce_min3A_179 [1, 2] : vector<1x64x1xi32> to vector<1xi32>
    %reduce_min3A_181 = vector.shape_cast %reduce_min3A_180 : vector<1xi32> to vector<1x1x1xi32>
    %reduce_min3A_182 = vector.extract %reduce_min3A_181[0, 0, 0] : i32 from vector<1x1x1xi32>
    %iota3A_183 = tpu.iota {dimensions = array<i32: 1>} : vector<1x32xi32>
    %eq3A_184 = vector.broadcast %reduce_min3A_182 : i32 to vector<1x32xi32>
    %eq3A_185 = arith.cmpi eq, %iota3A_183, %eq3A_184 : vector<1x32xi32>
    %jit3A_186 = arith.constant 0.000000e+00 : f32
    %broadcast_in_dim3A_187 = vector.broadcast %jit3A_186 : f32 to vector<1x32xf32>
    %select_n3A_188 = arith.select %eq3A_185, %add3A_159, %broadcast_in_dim3A_187 : vector<1x32xi1>, vector<1x32xf32>
    %reduce_sum3A = vector.shape_cast %select_n3A_188 : vector<1x32xf32> to vector<1x1x32xf32>
    %reduce_sum3A_189 = arith.constant dense<0.000000e+00> : vector<1xf32>
    %reduce_sum3A_190 = vector.multi_reduction <add>, %reduce_sum3A, %reduce_sum3A_189 [1, 2] : vector<1x1x32xf32> to vector<1xf32>
    %reduce_sum3A_191 = vector.shape_cast %reduce_sum3A_190 : vector<1xf32> to vector<1x1x1xf32>
    %reduce_sum3A_192 = vector.extract %reduce_sum3A_191[0, 0, 0] : f32 from vector<1x1x1xf32>
    %reduce_max3A_193 = vector.shape_cast %add3A_159 : vector<1x32xf32> to vector<1x1x32xf32>
    %reduce_max3A_194 = arith.constant dense<0xFF800000> : vector<1xf32>
    %reduce_max3A_195 = vector.multi_reduction <maximumf>, %reduce_max3A_193, %reduce_max3A_194 [1, 2] : vector<1x1x32xf32> to vector<1xf32>
    %reduce_max3A_196 = vector.shape_cast %reduce_max3A_195 : vector<1xf32> to vector<1x1x1xf32>
    %reduce_max3A_197 = vector.extract %reduce_max3A_196[0, 0, 0] : f32 from vector<1x1x1xf32>
    %sub3A_198 = vector.broadcast %reduce_max3A_197 : f32 to vector<1x32xf32>
    %sub3A_199 = arith.subf %add3A_159, %sub3A_198 : vector<1x32xf32>
    %exp3A = math.exp %sub3A_199 : vector<1x32xf32>
    %reduce_sum3A_200 = vector.shape_cast %exp3A : vector<1x32xf32> to vector<1x1x32xf32>
    %reduce_sum3A_201 = arith.constant dense<0.000000e+00> : vector<1xf32>
    %reduce_sum3A_202 = vector.multi_reduction <add>, %reduce_sum3A_200, %reduce_sum3A_201 [1, 2] : vector<1x1x32xf32> to vector<1xf32>
    %reduce_sum3A_203 = vector.shape_cast %reduce_sum3A_202 : vector<1xf32> to vector<1x1x1xf32>
    %reduce_sum3A_204 = vector.extract %reduce_sum3A_203[0, 0, 0] : f32 from vector<1x1x1xf32>
    %log3A = math.log %reduce_sum3A_204 : f32
    %add3A_205 = arith.addf %reduce_max3A_197, %log3A : f32
    %sub3A_206 = arith.subf %add3A_205, %reduce_sum3A_192 : f32
    %mul3A_207 = arith.constant 5.000000e-03 : f32
    %mul3A_208 = arith.mulf %mul3A_207, %get3A_57 : f32
    %add3A_209 = arith.addf %sub3A_206, %mul3A_208 : f32
    %mul3A_210 = arith.constant 0.00999999977 : f32
    %mul3A_211 = arith.mulf %mul3A_210, %get3A_60 : f32
    %sub3A_212 = arith.subf %add3A_209, %mul3A_211 : f32
    %swap3A_213 = arith.constant 0 : index
    %swap3A_214 = arith.constant 0 : index
    %swap3A_215 = memref.load %arg21[%swap3A_213, %swap3A_214] : memref<1x1xf32, #tpu.memory_space<smem>>
    memref.store %sub3A_212, %arg21[%swap3A_213, %swap3A_214] : memref<1x1xf32, #tpu.memory_space<smem>>
    return
  }
}

</mosaic_0001>

<sc_bundles>
// kernel: kernel.5.cloned.1.call-start
scs
__scs_entry_jumppad:
0x0: {  	(pc) =	sbr.rel $0x88, $3  }
0x1: {  	(tag) =	ssettag $0x0;
	lr =	simm.s32 $0x1  }
0x2: {  	[smem:$0x3F90] =	sst lr;
	_ =	strace $0xD0000000  }
0x3: {  	_ = 	snop  }
0x4: {  	_ = 	snop  }
0x5: {  	_ = 	snop  }
0x6: {  	_ = 	snop  }
0x7: {  	_ = 	snop  }
__scs_overlays_trampoline_lowered:
0x8: {  	[smem:$0x3F9F] =	sst s0  }
0x9: {  	[smem:$0x3FA0] =	sst s1  }
0xa: {  	[smem:$0x3FA1] =	sst s2  }
0xb: {  	[smem:$0x3FA2] =	sst s3  }
0xc: {  	[smem:$0x3FA3] =	sst s4  }
0xd: {  	[smem:$0x3FA4] =	sst s5  }
0xe: {  	[smem:$0x3FA5] =	sst s6  }
0xf: {  	[smem:$0x3FA6] =	sst s7  }
0x10: {  	[smem:$0x3FA7] =	sst s8  }
0x11: {  	[smem:$0x3FA8] =	sst s9;
	s0 =	simm.s32 @!p0 $0x0  }
0x12: {  	s1 =	sld [smem:$0x3F8E];
	s0 =	simm.s32 @p0 $0x1  }
0x13: {  	[smem:$0x3FA9] =	sst s0;
	s0 =	simm.s32 @!p1 $0x0  }
0x14: {  	s2 =	sld [smem:$0x3F8D];
	s0 =	simm.s32 @p1 $0x1  }
0x15: {  	[smem:$0x3FAA] =	sst s0;
	s0 =	simm.s32 @!p2 $0x0  }
0x16: {  	s3 =	sld [smem:$0x3FDB];
	s0 =	simm.s32 @p2 $0x1  }
0x17: {  	s4 =	simm.s32 $0x1BF5;
	[smem:$0x3FAC] =	sst s0  }
0x18: {  	s0 =	sld [smem:$0x3F8F];
	_ =	swait.ge [sflag:s4], $0x0  }
0x19: {  	s7 =	sld [smem:$0x3F90]  }
0x1a: {  	s8 =	sadd.s32 $0xFFFFE003, lr  }
0x1b: {  	s9 =	sadd.s32 $0xFFFFFEF7, lr;
	s5 =	simm.s32 $0xFFFFFFFF;
	p2 =	slt.u32 s8, $0xFFFFF086  }
0x1c: {  	p1 =	slt.u32 s9, $0xF7A;
	s5 =	simm.s32 @!p2 $0x0  }
0x1d: {  	s5 =	simm.s32 @p1 $0x1;
	p0 =	seq.s32 s7, s2  }
0x1e: {  	s7 =	smul.u32 @!p0 $0xF7A, s2;
	p2 =	seq.s32 @!p0 s5, $0x0  }
0x1f: {  	s9 =	smul.u32 $0xF7A, s1;
	s8 =	simm.s32 @!p0 $0x1BF5;
	p2 =	por !p2, p0  }
0x20: {  	[sflag:s8] =	ssyncset.s32 @!p0 $0xFFFFF086;
	s6 =	sadd.s32 @!p0 s3, s7;
	s7 =	simm.s32 @!p0 $0x108  }
0x21: {  	s3 =	sadd.s32 s3, s9;
	s6 =	sadd.s32 @!p0 $0x88, s6;
	s7 =	simm.s32 @p2 $0x1082  }
0x22: {  	[simem:s7], [sflag:s8] =	dma.local @!p0 [hbm:s6], $0xF7A  }
0x23: {  	s9 =	sor.u32 $0xD0000000, s2;
	s6 =	simm.s32 $0x108;
	_ =	swait.ge @!p0 [sflag:s8], $0x0  }
0x24: {  	s3 =	sadd.s32 $0x88, s3;
	s6 =	simm.s32 @!p1 $0x1082;
	[sflag:s4] =	ssyncset.s32 $0xFFFFF086  }
0x25: {  	[simem:s6], [sflag:s4] =	dma.local [hbm:s3], $0xF7A  }
0x26: {  	[smem:$0x3F90] =	sst s1;
	(tag) =	ssettag s2;
	_ =	strace s9  }
0x27: {  	s1 =	sld [smem:$0x3FA0]  }
0x28: {  	s2 =	sld [smem:$0x3FA1]  }
0x29: {  	s4 =	sld [smem:$0x3FA3]  }
0x2a: {  	p0 =	seq.s32 s5, $0x0;
	s5 =	sld [smem:$0x3FA4]  }
0x2b: {  	s6 =	sld [smem:$0x3FA5]  }
0x2c: {  	s7 =	sld [smem:$0x3FA6]  }
0x2d: {  	s3 =	simm.s32 $0x108;
	s8 =	sld [smem:$0x3FA7]  }
0x2e: {  	s3 =	simm.s32 @!p0 $0x1082;
	s9 =	sld [smem:$0x3FA8]  }
0x2f: {  	lr =	sadd.s32 s0, s3;
	s0 =	sld [smem:$0x3F9F]  }
0x30: {  	s3 =	sld [smem:$0x3FA2]  }
0x31: {  	[smem:$0x3FAB] =	sst s10  }
0x32: {  	s10 =	sld [smem:$0x3FA9];
	_ =	sdelay $0x3  }
0x33: {  	p0 =	seq.s32 s10, $0x1;
	s10 =	sld [smem:$0x3FAB];
	_ =	sdelay $0x3  }
0x34: {  	[smem:$0x3FAB] =	sst s10  }
0x35: {  	s10 =	sld [smem:$0x3FAA];
	_ =	sdelay $0x3  }
0x36: {  	p1 =	seq.s32 s10, $0x1;
	s10 =	sld [smem:$0x3FAB];
	_ =	sdelay $0x3  }
0x37: {  	[smem:$0x3FAB] =	sst s10  }
0x38: {  	s10 =	sld [smem:$0x3FAC]  }
0x39: {  	_ = 	snop;
	(pc) =	sbr.ind lr, $3  }
0x3a: {  	_ = 	snop  }
0x3b: {  	_ = 	snop  }
0x3c: {  	p2 =	seq.s32 s10, $0x1;
	s10 =	sld [smem:$0x3FAB]  }
0x3d: {  	_ =	shalt  }
0x3e: {  	_ =	shalt  }
0x3f: {  	_ =	shalt  }
0x40: {  	_ =	shalt  }
0x41: {  	_ =	shalt  }
0x42: {  	_ =	shalt  }
0x43: {  	_ =	shalt  }
0x44: {  	_ =	shalt  }
0x45: {  	_ =	shalt  }
0x46: {  	_ =	shalt  }
0x47: {  	_ =	shalt  }
0x48: {  	_ =	shalt  }
0x49: {  	_ =	shalt  }
0x4a: {  	_ =	shalt  }
0x4b: {  	_ =	shalt  }
0x4c: {  	_ =	shalt  }
0x4d: {  	_ =	shalt  }
0x4e: {  	_ =	shalt  }
0x4f: {  	_ =	shalt  }
0x50: {  	_ =	shalt  }
0x51: {  	_ =	shalt  }
0x52: {  	_ =	shalt  }
0x53: {  	_ =	shalt  }
0x54: {  	_ =	shalt  }
0x55: {  	_ =	shalt  }
0x56: {  	_ =	shalt  }
0x57: {  	_ =	shalt  }
0x58: {  	_ =	shalt  }
0x59: {  	_ =	shalt  }
0x5a: {  	_ =	shalt  }
0x5b: {  	_ =	shalt  }
0x5c: {  	_ =	shalt  }
0x5d: {  	_ =	shalt  }
0x5e: {  	_ =	shalt  }
0x5f: {  	_ =	shalt  }
0x60: {  	_ =	shalt  }
0x61: {  	_ =	shalt  }
0x62: {  	_ =	shalt  }
0x63: {  	_ =	shalt  }
0x64: {  	_ =	shalt  }
0x65: {  	_ =	shalt  }
0x66: {  	_ =	shalt  }
0x67: {  	_ =	shalt  }
0x68: {  	_ =	shalt  }
0x69: {  	_ =	shalt  }
0x6a: {  	_ =	shalt  }
0x6b: {  	_ =	shalt  }
0x6c: {  	_ =	shalt  }
0x6d: {  	_ =	shalt  }
0x6e: {  	_ =	shalt  }
0x6f: {  	_ =	shalt  }
0x70: {  	_ =	shalt  }
0x71: {  	_ =	shalt  }
0x72: {  	_ =	shalt  }
0x73: {  	_ =	shalt  }
0x74: {  	_ =	shalt  }
0x75: {  	_ =	shalt  }
0x76: {  	_ =	shalt  }
0x77: {  	_ =	shalt  }
0x78: {  	_ =	shalt  }
0x79: {  	_ =	shalt  }
0x7a: {  	_ =	shalt  }
0x7b: {  	_ =	shalt  }
0x7c: {  	_ =	shalt  }
0x7d: {  	_ =	shalt  }
0x7e: {  	_ =	shalt  }
0x7f: {  	_ =	shalt  }
0x80: {  	_ =	shalt  }
0x81: {  	_ =	shalt  }
0x82: {  	_ =	shalt  }
0x83: {  	_ =	shalt  }
0x84: {  	_ =	shalt  }
0x85: {  	_ =	shalt  }
0x86: {  	_ =	shalt  }
0x87: {  	_ =	shalt  }
.Lfunc_end0:
.L_simem_size_0:
called_computation_lowered:
.L_overlay_start_0:
0x88: {  	s2 =	sld [smem:$0x3FD9]  }
0x89: {  	s3 =	sld [smem:$0x3FFE];
	_ =	sdelay $0x1  }
0x8a: {  	s1 =	srdreg.scid  }
0x8b: {  	s0 =	sand.u32 $0x1, s1  }
0x8c: {  	s17 =	sshll.u32 s0, $0xA;
	s2 =	sadd.s32 s3, s2  }
0x8d: {  	s2 =	sadd.s32 s2, s17  }
0x8e: {  	[smem:$0x3FB7] =	sst s2  }
0x8f: {  	_ = 	snop  }
0x90: {  	s2 =	sld [smem:$0x3FC8]  }
0x91: {  	s18 =	sld [smem:$0x3FC6]  }
0x92: {  	s4 =	sld [smem:$0x3FC4];
	(tm) =	ssettm $0x1  }
0x93: {  	s5 =	sld [smem:$0x3FFB];
	_ =	sdelay $0x3  }
0x94: {  	_ =	strace s5  }
0x95: {  	s5 =	sld [smem:$0x3FFC];
	_ =	sdelay $0x3  }
0x96: {  	_ =	strace s5  }
0x97: {  	s5 =	sld [smem:$0x3FFD];
	_ =	sdelay $0x3  }
0x98: {  	_ =	strace s5  }
0x99: {  	_ =	strace $0x8FFFFFFF  }
0x9a: {  	s19 =	sld [smem:$0x3FDB];
	_ =	sdelay $0x1  }
0x9b: {  	s6 =	simm.s32 $_scs_section_size  }
0x9c: {  	s7 =	simm.s32 $_size__tile_overlayer_lowered;
	s8 =	simm.s32 $_tile_overlayer_lowered  }
0x9d: {  	s22 =	simm.s32 $0x1BFF;
	s21 =	sshll.u32 s8, $0x1;
	s5 =	sadd.s32 s6, s19  }
0x9e: {  	s9 =	simm.s32 $0x0;
	s20 =	sshll.u32 s7, $0x1;
	s7 =	sadd.s32 s21, s5  }
0x9f: {  	[timem:s9], [sflag:s22] =	dma.local [hbm:s7], s20  }
0xa0: {  	_ =	swait.ge [sflag:s22], s20  }
0xa1: {  	s6 =	ssub.s32 $0x0, s20;
	[sflag:s22] =	ssyncset.done $0x0  }
0xa2: {  	[sflag:s22] =	ssyncadd.s32 s6;
	_ =	sdelay $0x1  }
0xa3: {  	s23 =	simm.s32 $0x1B8B  }
0xa4: {  	_ =	swait.ge [sflag:s23], $0x1  }
0xa5: {  	[sflag:s23] =	ssyncset.done $0x0  }
0xa6: {  	s25 =	simm.s32 $0x1B8E;
	s24 =	sld [smem:$0x3FFE];
	[sflag:s23] =	ssyncadd.s32 $0xFFFFFFFF  }
0xa7: {  	s26 =	simm.s32 $execute0_lowered;
	[smem:$0x3FD2] =	sst s25  }
0xa8: {  	s7 =	sshll.u32 s26, $0x1;
	_ =	strace $0x80000046;
	[dreg:$0x1] =	wrdreg $0xFFFFFFFF  }
0xa9: {  	s28 =	simm.s32 $_size_execute0_lowered;
	s5 =	sadd.s32 s5, s7;
	[dreg:$0x0] =	wrdreg $0x0  }
0xaa: {  	s7 =	sshll.u32 s28, $0x1;
	[dreg:$0x2] =	wrdreg s5  }
0xab: {  	[dreg:$0x3] =	wrdreg s7  }
0xac: {  	[dreg:$0x4] =	wrdreg $0xC0  }
0xad: {  	_ =	task [dreg:s9], $0x5FFFF  }
0xae: {  	[dreg:$0x1] =	wrdreg $0xFFFFFFFF  }
0xaf: {  	[dreg:$0x0] =	wrdreg $0x60  }
0xb0: {  	[dreg:$0x2] =	wrdreg s24  }
0xb1: {  	[dreg:$0x3] =	wrdreg s18  }
0xb2: {  	[dreg:$0x4] =	wrdreg s4  }
0xb3: {  	[dreg:$0x5] =	wrdreg s2  }
0xb4: {  	[dreg:$0x6] =	wrdreg $0x9  }
0xb5: {  	_ =	task.clear_ibuf [dreg:s9], $0x7FFFF;
	_ =	strace $0x90000046  }
0xb6: {  	s29 =	simm.s32 $0x9;
	_ =	strace $0x80000048  }
0xb7: {  	_ =	swait.ge [sflag:s29], $0x1  }
0xb8: {  	[sflag:s29] =	ssyncadd.s32 $0xFFFFFFFF  }
0xb9: {  	_ =	strace $0x90000048  }
0xba: {  	_ =	sfence  }
0xbb: {  	s30 =	sld [smem:$0x0];
	_ =	sdelay $0x2  }
0xbc: {  	s31 =	sshll.u32 s1, $0xD;
	s1 =	sshrl.u32 s1, $0x2  }
0xbd: {  	s3 =	sand.u32 $0x4000, s31;
	s1 =	sadd.s32 s1, s30  }
0xbe: {  	s0 =	sor.u32 s3, s0;
	s1 =	sshll.u32 s1, $0x11  }
0xbf: {  	s0 =	sor.u32 s1, s0  }
0xc0: {  	s0 =	sadd.s32 $0x8F2B, s0  }
0xc1: {  	[sflag:s0] =	ssyncadd.remote.s32 $0x1  }
0xc2: {  	_ =	sfence.sel $0xFFFF  }
0xc3: {  	[dreg:$0x0] =	wrdreg $0xFFFFFFFF;
	(pc) =	sbr.abs _section_cstart, $3  }
0xc4: {  	[dreg:$0x1] =	wrdreg $0xFFFFFFFF  }
0xc5: {  	_ =	task.clear_ibuf [dreg:s9], $0x2FFFF;
	_ =	strace $0x9FFFFFFF  }
0xc6: {  	(tm) =	ssettm $0x7FFFFFFF  }
0xc7: {  	_ =	shalt  }
tec
execute0_lowered:
.L_overlay_start_1:
0x0: {  	(tag) =	ssettag $0x1  }
0x1: {  	s6 =	rddreg [dreg:$0x0];
	v2 =	vimm.s32 $0xEDCBA987;
	v1 =	vlaneseq.u32  }
0x2: {  	s0 =	srdreg.scid;
	s8 =	rddreg [dreg:$0x1];
	v4 =	vimm.s32 $0x65432100;
	v7 =	vimm.s32 $0xDCBA9876;
	v8 =	vimm.s32 $0x54321000  }
0x3: {  	s1 =	stileid.u32;
	s9 =	rddreg [dreg:$0x2];
	s3 =	simm.s32 $0x0;
	v9 =	vimm.s32 $0xE40000;
	v10 =	vimm.s32 $0xBA987654;
	v11 =	vimm.s32 $0x32100000  }
0x4: {  	s17 =	simm.s32 $0x1;
	vm0 =	vmmov $0x3;
	s18 =	simm.s32 $0x2710;
	s19 =	simm.s32 $0x4E20;
	vm2 =	vcmask $0x3F30;
	vm1 =	vmmov $0xf  }
0x5: {  	s20 =	simm.s32 $0x7530;
	s21 =	simm.s32 $0x9C40;
	s22 =	simm.s32 $0xC350;
	v5 =	vunpack.c.l.s4.s8 v2;
	v2 =	vmul.u32 $0x271, v1;
	v3 =	vmul.u32 $0x8, v1  }
0x6: {  	s23 =	simm.s32 $0xC360;
	s24 =	simm.s32 $0xC370;
	s25 =	simm.s32 $0xC3F0;
	v6 =	vunpack.c.l.s4.s8 v4;
	v4 =	vimm.s32 $0x0;
	v7 =	vunpack.c.l.s4.s8 v7  }
0x7: {  	s26 =	simm.s32 $0xC400;
	s28 =	simm.s32 $0xC410;
	s29 =	simm.s32 $0xC420;
	v8 =	vunpack.c.l.s4.s8 v8;
	v9 =	vunpack.c.l.s2.s4 v9;
	v10 =	vunpack.c.l.s4.s8 v10  }
0x8: {  	s30 =	simm.s32 $0xC430;
	s0 =	sand.u32 $0x1, s0;
	s1 =	sshll.u32 s1, $0x1;
	v11 =	vunpack.c.l.s4.s8 v11;
	v5 =	vunpack.c.0.s8.s32 v5;
	v6 =	vunpack.c.0.s8.s32 v6  }
0x9: {  	s31 =	simm.s32 $0xC440;
	[smem:$0x7FF] =	sst s3;
	s1 =	sor.u32 s0, s1;
	v7 =	vunpack.c.0.s8.s32 v7;
	v8 =	vunpack.c.0.s8.s32 v8;
	v9 =	vunpack.c.l.s4.s8 v9  }
0xa: {  	s4 =	sadd.s32 $0x16400, s6;
	s0 =	ssub.s32 $0x2, s0;
	s2 =	smul.u32 $0x2710, s1;
	v12 =	vor.u32 $0x2, v3;
	v13 =	vor.u32 $0x3, v3;
	v14 =	vor.u32 $0x4, v3  }
0xb: {  	s5 =	sadd.s32 $0x16200, s6;
	s1 =	sshll.u32 s1, $0x1;
	s10 =	sshrl.u32 s0, $0x1;
	v15 =	vor.u32 $0x5, v3;
	v16 =	vor.u32 $0x6, v3;
	v17 =	vor.u32 $0x7, v3  }
0xc: {  	_ =	strace $0x80000047;
	s1 =	sadd.s32 s1, s6;
	s0 =	ssub.s32 s0, s10;
	v0 =	vmov s2;
	v5 =	vand.u32 $0xF, v5;
	v7 =	vand.u32 $0xF, v7  }
0xd: {  	s2 =	sshrl.u32 s2, $0x3;
	s10 =	sadd.s32 $0x16800, s1;
	s11 =	sadd.s32 $0x16A00, s1;
	v5 =	vcombine.low v6, v5;
	v6 =	vcombine.low v8, v7;
	v7 =	vunpack.c.0.s8.s32 v10  }
0xe: {  	s12 =	sadd.s32 $0x16C00, s1;
	s13 =	sadd.s32 $0x16E00, s1;
	s14 =	sadd.s32 $0x17000, s1;
	v9 =	vunpack.c.0.s8.s32 v9;
	v8 =	vunpack.c.0.s8.s32 v11;
	v10 =	vimm.s32 $0x7060504  }
0xf: {  	s15 =	sadd.s32 $0x16600, s1;
	s16 =	smax.u32 s0, $0x1;
	s1 =	simm.s32 $0xC450;
	v11 =	vor.u32 $0x1, v3;
	v10 =	vunpack.c.0.s8.s32 v10;
	v7 =	vand.u32 $0xF, v7  }
0x10: {  	s0 =	simm.s32 $0x0;
	s7 =	sadd.s32 s2, s6;
	s8 =	sadd.s32 s8, s2;
	v7 =	vcombine.low v8, v7;
	v8 =	vand.u32 $0x3, v9;
	v9 =	vimm.s32 $0xF  }
0x11: {  	s9 =	sadd.s32 s9, s2;
	s6 =	sadd.s32 $0x2400, s7;
	s7 =	sadd.s32 $0xC200, s7;
	v8 =	vsel vm2, v10, v8;
	vm2 =	vmmov $0xff;
	v10 =	vimm.f32 $0.0e+00  }
.LBB2_1:
0x12: {  	[tilespmem:s3], [sflag:$0x1] =	stream.linear.gather [hbm4b:s6+s3], $0x2710, $0x38;
	[tilespmem:$0xC460] =	vst v63  }
0x13: {  	_ =	swait.ge [sflag:s17], $0x2710  }
0x14: {  	[sflag:s17] =	ssyncset.done $0x0  }
0x15: {  	[sflag:s17] =	ssyncadd.s32 $0xFFFFD8F0  }
0x16: {  	[tilespmem:s18], [sflag:$0x1] =	stream.linear.gather [hbm4b:s7+s3], $0x2710, $0x38;
	[tilespmem:$0xC460] =	vst v63  }
0x17: {  	_ =	swait.ge [sflag:s17], $0x2710  }
0x18: {  	[sflag:s17] =	ssyncset.done $0x0  }
0x19: {  	[sflag:s17] =	ssyncadd.s32 $0xFFFFD8F0  }
0x1a: {  	[tilespmem:s19], [sflag:$0x1] =	stream.linear.gather [hbm4b:s8+s3], $0x2710, $0x38;
	[tilespmem:$0xC460] =	vst v63  }
0x1b: {  	_ =	swait.ge [sflag:s17], $0x2710  }
0x1c: {  	[sflag:s17] =	ssyncset.done $0x0  }
0x1d: {  	[sflag:s17] =	ssyncadd.s32 $0xFFFFD8F0  }
0x1e: {  	[tilespmem:s20], [sflag:$0x1] =	stream.linear.gather [hbm4b:s9+s3], $0x2710, $0x38;
	[tilespmem:$0xC460] =	vst v63  }
0x1f: {  	_ =	swait.ge [sflag:s17], $0x2710  }
0x20: {  	[sflag:s17] =	ssyncset.done $0x0  }
0x21: {  	[sflag:s17] =	ssyncadd.s32 $0xFFFFD8F0  }
0x22: {  	s2 =	rddreg [dreg:$0x3]  }
0x23: {  	[tilespmem:s21], [sflag:$0x1] =	stream.linear.gather [hbm4b:s2+s3], $0x2710, $0x38;
	[tilespmem:$0xC460] =	vst v63  }
0x24: {  	_ =	swait.ge [sflag:s17], $0x2710  }
0x25: {  	[sflag:s17] =	ssyncset.done $0x0  }
0x26: {  	[sflag:s17] =	ssyncadd.s32 $0xFFFFD8F0  }
0x27: {  	[tilespmem:s22], [sflag:$0x1] =	stream.linear.gather [hbm4b:s4+s3], $0x10, $0x38;
	[tilespmem:$0xC460] =	vst v63  }
0x28: {  	_ =	swait.ge [sflag:s17], $0x10  }
0x29: {  	[sflag:s17] =	ssyncset.done $0x0  }
0x2a: {  	[sflag:s17] =	ssyncadd.s32 $0xFFFFFFF0  }
0x2b: {  	[tilespmem:s23], [sflag:$0x1] =	stream.linear.gather [hbm4b:s5+s3], $0x10, $0x38;
	[tilespmem:$0xC460] =	vst v63  }
0x2c: {  	v20 =	vadd.s32 s3, v2;
	_ =	swait.ge [sflag:s17], $0x10  }
0x2d: {  	[sflag:s17] =	ssyncset.done $0x0  }
0x2e: {  	[sflag:s17] =	ssyncadd.s32 $0xFFFFFFF0  }
0x2f: {  	v19 =	vld [tilespmem:$0xC350]  }
0x30: {  	v18 =	vld [tilespmem:$0xC360]  }
0x31: {  	v21 =	vld.idx.msk [tilespmem:v20+s3+$0x0], $0xffff;
	_ =	sdelay $0x4  }
0x32: {  	vm5 =	vlt.s32 v4, $0x7;
	vm3 =	veq.s32 v21, v19;
	vm4 =	veq.s32 v21, v18  }
0x33: {  	v21 =	vnsel vm5, $0x7, v4;
	vm3 =	vmor vm3, vm4  }
0x34: {  	s2 =	simm.s32 $0x1;
	v23 =	vadd.s32 v3, v21;
	v24 =	vsel vm3, $0x1, v4  }
0x35: {  	v22 =	vadd.s32 s2, v2;
	s2 =	simm.s32 $0x2;
	v21 =	vadd.s32 v24, v4  }
.LBB2_2:
0x36: {  	p0 =	sne.s32 s2, $0x270;
	_ =	sdelay $0x2  }
0x37: {  	[tilespmem:v23+s24+$0x0] =	vst.idx.msk vm3, v20;
	v20 =	vmov v22  }
0x38: {  	v22 =	vld.idx.msk [tilespmem:v22+s3+$0x0], $0xffff;
	_ =	sdelay $0x4  }
.Ltmp0:
0x39: {  	(pc) =	sbr.rel @p0 .LBB2_2-.Ltmp0, $4  }
0x3a: {  	vm5 =	vlt.s32 v21, $0x7;
	vm3 =	veq.s32 v22, v19;
	vm4 =	veq.s32 v22, v18  }
0x3b: {  	v22 =	vnsel vm5, $0x7, v21;
	vm3 =	vmor vm3, vm4  }
0x3c: {  	v23 =	vadd.s32 v3, v22;
	v24 =	vsel vm3, $0x1, v4  }
0x3d: {  	v22 =	vadd.s32 s2, v2;
	s2 =	sadd.s32 $0x1, s2;
	v21 =	vadd.s32 v24, v21  }
0x3e: {  	_ =	sdelay $0x4  }
0x3f: {  	[tilespmem:v23+s24+$0x0] =	vst.idx.msk vm3, v20  }
0x40: {  	v20 =	vld.idx.msk [tilespmem:v22+s3+$0x0], $0xffff;
	_ =	sdelay $0x4  }
0x41: {  	vm5 =	vlt.s32 v21, $0x7;
	vm3 =	veq.s32 v20, v19;
	vm4 =	veq.s32 v20, v18  }
0x42: {  	v48 =	vnsel vm5, $0x7, v21;
	vm3 =	vmor vm3, vm4  }
0x43: {  	v49 =	vadd.s32 v3, v48;
	_ =	sdelay $0x1  }
0x44: {  	v50 =	vsel vm3, $0x1, v4  }
0x45: {  	v20 =	vadd.s32 v50, v21  }
0x46: {  	vm15 =	vlt.s32 v20, $0x8  }
0x47: {  	v21 =	vnsel vm15, $0x8, v20;
	[tilespmem:v49+s24+$0x0] =	vst.idx.msk vm3, v22  }
0x48: {  	[tilespmem:$0xC3F0] =	vst v21  }
0x49: {  	v22 =	vld.idx.msk [tilespmem:v5+s25+$0x0], $0xffff;
	_ =	sdelay $0x3  }
0x4a: {  	vm3 =	veq.s32 v1, $0x0  }
0x4b: {  	v22 =	vsel vm3, $0x0, v22  }
0x4c: {  	v22 =	vadd.s32 v21, v22  }
0x4d: {  	[tilespmem:$0xC3F0] =	vst v22  }
0x4e: {  	v23 =	vld.idx.msk [tilespmem:v6+s25+$0x0], $0xffff;
	_ =	sdelay $0x4  }
0x4f: {  	v23 =	vsel vm0, $0x0, v23  }
0x50: {  	v22 =	vadd.s32 v22, v23  }
0x51: {  	[tilespmem:$0xC3F0] =	vst v22  }
0x52: {  	v51 =	vld.idx.msk [tilespmem:v7+s25+$0x0], $0xffff;
	_ =	sdelay $0x4  }
0x53: {  	v23 =	vsel vm1, $0x0, v51  }
0x54: {  	v22 =	vadd.s32 v22, v23  }
0x55: {  	[tilespmem:$0xC3F0] =	vst v22  }
0x56: {  	v52 =	vld.idx.msk [tilespmem:v8+s25+$0x0], $0xffff;
	_ =	sdelay $0x4  }
0x57: {  	v23 =	vsel vm2, $0x0, v52  }
0x58: {  	v22 =	vadd.s32 v22, v23  }
0x59: {  	[tilespmem:$0xC3F0] =	vst v22  }
0x5a: {  	v53 =	vld.idx.msk [tilespmem:v9+s25+$0x0], $0xffff;
	_ =	sdelay $0x4  }
0x5b: {  	vm3 =	vlt.s32 v53, $0x10  }
0x5c: {  	v23 =	vnsel vm3, $0x10, v53  }
0x5d: {  	[tilespmem:$0xC400] =	vst v23  }
0x5e: {  	[hbm4b:s10+s3] =	stream.linear.scatter [tilespmem:s26], [sflag:$0x1], $0x10, $0x38;
	[tilespmem:$0xC460] =	vst v63  }
0x5f: {  	_ =	swait.ge [sflag:s17], $0x10  }
0x60: {  	[sflag:s17] =	ssyncset.done $0x0  }
0x61: {  	[sflag:s17] =	ssyncadd.s32 $0xFFFFFFF0  }
0x62: {  	[tilespmem:$0xC410] =	vst v4  }
0x63: {  	[tilespmem:$0xC420] =	vst v4  }
0x64: {  	[tilespmem:$0xC430] =	vst v10  }
0x65: {  	[tilespmem:$0xC440] =	vst v10  }
0x66: {  	[tilespmem:$0xC450] =	vst v10  }
0x67: {  	v54 =	vld.idx.msk [tilespmem:v3+s24+$0x0], $0xffff;
	_ =	sdelay $0x4  }
0x68: {  	vm3 =	vgt.s32 v54, $0x0  }
0x69: {  	v23 =	vnsel vm3, $0x0, v54  }
0x6a: {  	v23 =	vmin.u32 v23, $0x270F;
	_ =	sdelay $0x4  }
0x6b: {  	v24 =	vld.idx.msk [tilespmem:v23+s20+$0x0], $0xffff;
	_ =	sdelay $0x4  }
0x6c: {  	v24 =	vsub.f32 $0.0e+00, v24;
	_ =	sdelay $0x1  }
0x6d: {  	v24 =	vmul.f32 $1.442695020e+00, v24;
	_ =	sdelay $0x1  }
0x6e: {  	(erf) = vpow2.f32 v24;
	_ =	sdelay $0x8  }
0x6f: {  	v24 =	vpop (erf)  }
0x70: {  	v25 =	vld.idx.msk [tilespmem:v23+s18+$0x0], $0xffff;
	v24 =	vadd.f32 $1.000000000e+00, v24;
	_ =	sdelay $0x1  }
0x71: {  	(erf) = vrcp.f32 v24;
	_ =	sdelay $0x1  }
0x72: {  	v21 =	vsub.s32 v22, v21  }
0x73: {  	vm8 =	vlt.s32 v21, $0xF;
	vm3 =	vgt.s32 v20, $0x0;
	v55 =	vld.idx.msk [tilespmem:v23+s3+$0x0], $0xffff  }
0x74: {  	v56 =	vnsel vm8, $0xF, v21  }
0x75: {  	v26 =	vld.idx.msk [tilespmem:v23+s19+$0x0], $0xffff  }
0x76: {  	v27 =	vld.idx.msk [tilespmem:v25+s21+$0x0], $0xffff;
	_ =	sdelay $0x1  }
0x77: {  	vm9 =	veq.s32 v55, v19  }
0x78: {  	v58 =	vadd.s32 v0, v23;
	vm10 =	veq.s32 v55, v18;
	vm4 =	vmand vm3, vm9;
	[tilespmem:v56+s28+$0x0] =	vst.idx.msk vm3, v25;
	v57 =	vpop (erf)  }
0x79: {  	vm11 =	vmand vm3, vm10;
	[tilespmem:v56+s29+$0x0] =	vst.idx.msk vm3, v58;
	v59 =	vnsel vm4, $0x0, v57  }
0x7a: {  	v60 =	vsub.f32 v26, v27;
	v25 =	vnsel vm11, $0x0, v57;
	[tilespmem:v56+s30+$0x0] =	vst.idx.msk vm3, v59  }
0x7b: {  	[tilespmem:v56+s31+$0x0] =	vst.idx.msk vm3, v25  }
0x7c: {  	[tilespmem:v56+s1+$0x0] =	vst.idx.msk vm3, v60  }
0x7d: {  	v22 =	vld.idx.msk [tilespmem:v11+s24+$0x0], $0xffff;
	_ =	sdelay $0x4  }
0x7e: {  	vm3 =	vgt.s32 v22, $0x0  }
0x7f: {  	v22 =	vnsel vm3, $0x0, v22  }
0x80: {  	v22 =	vmin.u32 v22, $0x270F;
	_ =	sdelay $0x4  }
0x81: {  	v23 =	vld.idx.msk [tilespmem:v22+s20+$0x0], $0xffff;
	_ =	sdelay $0x4  }
0x82: {  	v23 =	vsub.f32 $0.0e+00, v23;
	_ =	sdelay $0x1  }
0x83: {  	v23 =	vmul.f32 $1.442695020e+00, v23;
	_ =	sdelay $0x1  }
0x84: {  	(erf) = vpow2.f32 v23;
	_ =	sdelay $0x8  }
0x85: {  	v23 =	vpop (erf)  }
0x86: {  	v24 =	vld.idx.msk [tilespmem:v22+s18+$0x0], $0xffff;
	v23 =	vadd.f32 $1.000000000e+00, v23;
	_ =	sdelay $0x1  }
0x87: {  	(erf) = vrcp.f32 v23;
	_ =	sdelay $0x1  }
0x88: {  	v61 =	vadd.s32 $0x1, v21  }
0x89: {  	vm12 =	vlt.s32 v61, $0xF;
	vm3 =	vgt.s32 v20, $0x1;
	v25 =	vld.idx.msk [tilespmem:v22+s3+$0x0], $0xffff  }
0x8a: {  	v23 =	vnsel vm12, $0xF, v61  }
0x8b: {  	v62 =	vld.idx.msk [tilespmem:v22+s19+$0x0], $0xffff  }
0x8c: {  	v63 =	vld.idx.msk [tilespmem:v24+s21+$0x0], $0xffff;
	_ =	sdelay $0x1  }
0x8d: {  	vm13 =	veq.s32 v25, v19  }
0x8e: {  	v22 =	vadd.s32 v0, v22;
	vm14 =	veq.s32 v25, v18;
	vm4 =	vmand vm3, vm13;
	[tilespmem:v23+s28+$0x0] =	vst.idx.msk vm3, v24;
	v28 =	vpop (erf)  }
0x8f: {  	vm15 =	vmand vm3, vm14;
	[tilespmem:v23+s29+$0x0] =	vst.idx.msk vm3, v22;
	v29 =	vnsel vm4, $0x0, v28  }
0x90: {  	v30 =	vsub.f32 v62, v63;
	v24 =	vnsel vm15, $0x0, v28;
	[tilespmem:v23+s30+$0x0] =	vst.idx.msk vm3, v29  }
0x91: {  	[tilespmem:v23+s31+$0x0] =	vst.idx.msk vm3, v24  }
0x92: {  	[tilespmem:v23+s1+$0x0] =	vst.idx.msk vm3, v30  }
0x93: {  	v22 =	vld.idx.msk [tilespmem:v12+s24+$0x0], $0xffff;
	_ =	sdelay $0x4  }
0x94: {  	vm3 =	vgt.s32 v22, $0x0  }
0x95: {  	v22 =	vnsel vm3, $0x0, v22  }
0x96: {  	v22 =	vmin.u32 v22, $0x270F;
	_ =	sdelay $0x4  }
0x97: {  	v23 =	vld.idx.msk [tilespmem:v22+s20+$0x0], $0xffff;
	_ =	sdelay $0x4  }
0x98: {  	v23 =	vsub.f32 $0.0e+00, v23;
	_ =	sdelay $0x1  }
0x99: {  	v23 =	vmul.f32 $1.442695020e+00, v23;
	_ =	sdelay $0x1  }
0x9a: {  	(erf) = vpow2.f32 v23;
	_ =	sdelay $0x8  }
0x9b: {  	v23 =	vpop (erf)  }
0x9c: {  	v24 =	vld.idx.msk [tilespmem:v22+s18+$0x0], $0xffff;
	v23 =	vadd.f32 $1.000000000e+00, v23;
	_ =	sdelay $0x1  }
0x9d: {  	(erf) = vrcp.f32 v23;
	_ =	sdelay $0x1  }
0x9e: {  	v31 =	vadd.s32 $0x2, v21  }
0x9f: {  	vm8 =	vlt.s32 v31, $0xF;
	vm3 =	vgt.s32 v20, $0x2;
	v25 =	vld.idx.msk [tilespmem:v22+s3+$0x0], $0xffff  }
0xa0: {  	v23 =	vnsel vm8, $0xF, v31  }
0xa1: {  	v32 =	vld.idx.msk [tilespmem:v22+s19+$0x0], $0xffff  }
0xa2: {  	v33 =	vld.idx.msk [tilespmem:v24+s21+$0x0], $0xffff;
	_ =	sdelay $0x1  }
0xa3: {  	vm9 =	veq.s32 v25, v19  }
0xa4: {  	v22 =	vadd.s32 v0, v22;
	vm10 =	veq.s32 v25, v18;
	vm4 =	vmand vm3, vm9;
	[tilespmem:v23+s28+$0x0] =	vst.idx.msk vm3, v24;
	v34 =	vpop (erf)  }
0xa5: {  	vm11 =	vmand vm3, vm10;
	[tilespmem:v23+s29+$0x0] =	vst.idx.msk vm3, v22;
	v35 =	vnsel vm4, $0x0, v34  }
0xa6: {  	v36 =	vsub.f32 v32, v33;
	v24 =	vnsel vm11, $0x0, v34;
	[tilespmem:v23+s30+$0x0] =	vst.idx.msk vm3, v35  }
0xa7: {  	[tilespmem:v23+s31+$0x0] =	vst.idx.msk vm3, v24  }
0xa8: {  	[tilespmem:v23+s1+$0x0] =	vst.idx.msk vm3, v36  }
0xa9: {  	v22 =	vld.idx.msk [tilespmem:v13+s24+$0x0], $0xffff;
	_ =	sdelay $0x4  }
0xaa: {  	vm3 =	vgt.s32 v22, $0x0  }
0xab: {  	v22 =	vnsel vm3, $0x0, v22  }
0xac: {  	v22 =	vmin.u32 v22, $0x270F;
	_ =	sdelay $0x4  }
0xad: {  	v23 =	vld.idx.msk [tilespmem:v22+s20+$0x0], $0xffff;
	_ =	sdelay $0x4  }
0xae: {  	v23 =	vsub.f32 $0.0e+00, v23;
	_ =	sdelay $0x1  }
0xaf: {  	v23 =	vmul.f32 $1.442695020e+00, v23;
	_ =	sdelay $0x1  }
0xb0: {  	(erf) = vpow2.f32 v23;
	_ =	sdelay $0x8  }
0xb1: {  	v23 =	vpop (erf)  }
0xb2: {  	v24 =	vld.idx.msk [tilespmem:v22+s18+$0x0], $0xffff;
	v23 =	vadd.f32 $1.000000000e+00, v23;
	_ =	sdelay $0x1  }
0xb3: {  	(erf) = vrcp.f32 v23;
	_ =	sdelay $0x1  }
0xb4: {  	v37 =	vadd.s32 $0x3, v21  }
0xb5: {  	vm12 =	vlt.s32 v37, $0xF;
	vm3 =	vgt.s32 v20, $0x3;
	v25 =	vld.idx.msk [tilespmem:v22+s3+$0x0], $0xffff  }
0xb6: {  	v23 =	vnsel vm12, $0xF, v37  }
0xb7: {  	v38 =	vld.idx.msk [tilespmem:v22+s19+$0x0], $0xffff  }
0xb8: {  	v39 =	vld.idx.msk [tilespmem:v24+s21+$0x0], $0xffff;
	_ =	sdelay $0x1  }
0xb9: {  	vm13 =	veq.s32 v25, v19  }
0xba: {  	v22 =	vadd.s32 v0, v22;
	vm14 =	veq.s32 v25, v18;
	vm4 =	vmand vm3, vm13;
	[tilespmem:v23+s28+$0x0] =	vst.idx.msk vm3, v24;
	v40 =	vpop (erf)  }
0xbb: {  	vm15 =	vmand vm3, vm14;
	[tilespmem:v23+s29+$0x0] =	vst.idx.msk vm3, v22;
	v41 =	vnsel vm4, $0x0, v40  }
0xbc: {  	v42 =	vsub.f32 v38, v39;
	v24 =	vnsel vm15, $0x0, v40;
	[tilespmem:v23+s30+$0x0] =	vst.idx.msk vm3, v41  }
0xbd: {  	[tilespmem:v23+s31+$0x0] =	vst.idx.msk vm3, v24  }
0xbe: {  	[tilespmem:v23+s1+$0x0] =	vst.idx.msk vm3, v42  }
0xbf: {  	v22 =	vld.idx.msk [tilespmem:v14+s24+$0x0], $0xffff;
	_ =	sdelay $0x4  }
0xc0: {  	vm3 =	vgt.s32 v22, $0x0  }
0xc1: {  	v22 =	vnsel vm3, $0x0, v22  }
0xc2: {  	v22 =	vmin.u32 v22, $0x270F;
	_ =	sdelay $0x4  }
0xc3: {  	v23 =	vld.idx.msk [tilespmem:v22+s20+$0x0], $0xffff;
	_ =	sdelay $0x4  }
0xc4: {  	v23 =	vsub.f32 $0.0e+00, v23;
	_ =	sdelay $0x1  }
0xc5: {  	v23 =	vmul.f32 $1.442695020e+00, v23;
	_ =	sdelay $0x1  }
0xc6: {  	(erf) = vpow2.f32 v23;
	_ =	sdelay $0x8  }
0xc7: {  	v23 =	vpop (erf)  }
0xc8: {  	v24 =	vld.idx.msk [tilespmem:v22+s18+$0x0], $0xffff;
	v23 =	vadd.f32 $1.000000000e+00, v23;
	_ =	sdelay $0x1  }
0xc9: {  	(erf) = vrcp.f32 v23;
	_ =	sdelay $0x1  }
0xca: {  	v43 =	vadd.s32 $0x4, v21  }
0xcb: {  	vm8 =	vlt.s32 v43, $0xF;
	vm3 =	vgt.s32 v20, $0x4;
	v25 =	vld.idx.msk [tilespmem:v22+s3+$0x0], $0xffff  }
0xcc: {  	v23 =	vnsel vm8, $0xF, v43  }
0xcd: {  	v44 =	vld.idx.msk [tilespmem:v22+s19+$0x0], $0xffff  }
0xce: {  	v45 =	vld.idx.msk [tilespmem:v24+s21+$0x0], $0xffff;
	_ =	sdelay $0x1  }
0xcf: {  	vm9 =	veq.s32 v25, v19  }
0xd0: {  	v22 =	vadd.s32 v0, v22;
	vm10 =	veq.s32 v25, v18;
	vm4 =	vmand vm3, vm9;
	[tilespmem:v23+s28+$0x0] =	vst.idx.msk vm3, v24;
	v46 =	vpop (erf)  }
0xd1: {  	vm11 =	vmand vm3, vm10;
	[tilespmem:v23+s29+$0x0] =	vst.idx.msk vm3, v22;
	v47 =	vnsel vm4, $0x0, v46  }
0xd2: {  	v48 =	vsub.f32 v44, v45;
	v24 =	vnsel vm11, $0x0, v46;
	[tilespmem:v23+s30+$0x0] =	vst.idx.msk vm3, v47  }
0xd3: {  	[tilespmem:v23+s31+$0x0] =	vst.idx.msk vm3, v24  }
0xd4: {  	[tilespmem:v23+s1+$0x0] =	vst.idx.msk vm3, v48  }
0xd5: {  	v22 =	vld.idx.msk [tilespmem:v15+s24+$0x0], $0xffff;
	_ =	sdelay $0x4  }
0xd6: {  	vm3 =	vgt.s32 v22, $0x0  }
0xd7: {  	v22 =	vnsel vm3, $0x0, v22  }
0xd8: {  	v22 =	vmin.u32 v22, $0x270F;
	_ =	sdelay $0x4  }
0xd9: {  	v23 =	vld.idx.msk [tilespmem:v22+s20+$0x0], $0xffff;
	_ =	sdelay $0x4  }
0xda: {  	v23 =	vsub.f32 $0.0e+00, v23;
	_ =	sdelay $0x1  }
0xdb: {  	v23 =	vmul.f32 $1.442695020e+00, v23;
	_ =	sdelay $0x1  }
0xdc: {  	(erf) = vpow2.f32 v23;
	_ =	sdelay $0x8  }
0xdd: {  	v23 =	vpop (erf)  }
0xde: {  	v24 =	vld.idx.msk [tilespmem:v22+s18+$0x0], $0xffff;
	v23 =	vadd.f32 $1.000000000e+00, v23;
	_ =	sdelay $0x1  }
0xdf: {  	(erf) = vrcp.f32 v23;
	_ =	sdelay $0x1  }
0xe0: {  	v49 =	vadd.s32 $0x5, v21  }
0xe1: {  	vm12 =	vlt.s32 v49, $0xF;
	vm3 =	vgt.s32 v20, $0x5;
	v25 =	vld.idx.msk [tilespmem:v22+s3+$0x0], $0xffff  }
0xe2: {  	v23 =	vnsel vm12, $0xF, v49  }
0xe3: {  	v50 =	vld.idx.msk [tilespmem:v22+s19+$0x0], $0xffff  }
0xe4: {  	v51 =	vld.idx.msk [tilespmem:v24+s21+$0x0], $0xffff;
	_ =	sdelay $0x1  }
0xe5: {  	vm13 =	veq.s32 v25, v19  }
0xe6: {  	v22 =	vadd.s32 v0, v22;
	vm14 =	veq.s32 v25, v18;
	vm4 =	vmand vm3, vm13;
	[tilespmem:v23+s28+$0x0] =	vst.idx.msk vm3, v24;
	v52 =	vpop (erf)  }
0xe7: {  	vm15 =	vmand vm3, vm14;
	[tilespmem:v23+s29+$0x0] =	vst.idx.msk vm3, v22;
	v53 =	vnsel vm4, $0x0, v52  }
0xe8: {  	v54 =	vsub.f32 v50, v51;
	v24 =	vnsel vm15, $0x0, v52;
	[tilespmem:v23+s30+$0x0] =	vst.idx.msk vm3, v53  }
0xe9: {  	[tilespmem:v23+s31+$0x0] =	vst.idx.msk vm3, v24  }
0xea: {  	[tilespmem:v23+s1+$0x0] =	vst.idx.msk vm3, v54  }
0xeb: {  	v22 =	vld.idx.msk [tilespmem:v16+s24+$0x0], $0xffff;
	_ =	sdelay $0x4  }
0xec: {  	vm3 =	vgt.s32 v22, $0x0  }
0xed: {  	v22 =	vnsel vm3, $0x0, v22  }
0xee: {  	v22 =	vmin.u32 v22, $0x270F;
	_ =	sdelay $0x4  }
0xef: {  	v23 =	vld.idx.msk [tilespmem:v22+s20+$0x0], $0xffff;
	_ =	sdelay $0x4  }
0xf0: {  	v23 =	vsub.f32 $0.0e+00, v23;
	_ =	sdelay $0x1  }
0xf1: {  	v23 =	vmul.f32 $1.442695020e+00, v23;
	_ =	sdelay $0x1  }
0xf2: {  	(erf) = vpow2.f32 v23;
	_ =	sdelay $0x8  }
0xf3: {  	v23 =	vpop (erf)  }
0xf4: {  	v24 =	vld.idx.msk [tilespmem:v22+s18+$0x0], $0xffff;
	v23 =	vadd.f32 $1.000000000e+00, v23;
	_ =	sdelay $0x1  }
0xf5: {  	(erf) = vrcp.f32 v23;
	_ =	sdelay $0x1  }
0xf6: {  	v55 =	vadd.s32 $0x6, v21  }
0xf7: {  	vm8 =	vlt.s32 v55, $0xF;
	vm3 =	vgt.s32 v20, $0x6;
	v25 =	vld.idx.msk [tilespmem:v22+s3+$0x0], $0xffff  }
0xf8: {  	v23 =	vnsel vm8, $0xF, v55  }
0xf9: {  	v56 =	vld.idx.msk [tilespmem:v22+s19+$0x0], $0xffff  }
0xfa: {  	v57 =	vld.idx.msk [tilespmem:v24+s21+$0x0], $0xffff;
	_ =	sdelay $0x1  }
0xfb: {  	vm9 =	veq.s32 v25, v19  }
0xfc: {  	v22 =	vadd.s32 v0, v22;
	vm10 =	veq.s32 v25, v18;
	vm4 =	vmand vm3, vm9;
	[tilespmem:v23+s28+$0x0] =	vst.idx.msk vm3, v24;
	v58 =	vpop (erf)  }
0xfd: {  	vm11 =	vmand vm3, vm10;
	[tilespmem:v23+s29+$0x0] =	vst.idx.msk vm3, v22;
	v59 =	vnsel vm4, $0x0, v58  }
0xfe: {  	v60 =	vsub.f32 v56, v57;
	v24 =	vnsel vm11, $0x0, v58;
	[tilespmem:v23+s30+$0x0] =	vst.idx.msk vm3, v59  }
0xff: {  	[tilespmem:v23+s31+$0x0] =	vst.idx.msk vm3, v24  }
0x100: {  	[tilespmem:v23+s1+$0x0] =	vst.idx.msk vm3, v60  }
0x101: {  	v22 =	vld.idx.msk [tilespmem:v17+s24+$0x0], $0xffff;
	_ =	sdelay $0x4  }
0x102: {  	vm3 =	vgt.s32 v22, $0x0  }
0x103: {  	v22 =	vnsel vm3, $0x0, v22  }
0x104: {  	v22 =	vmin.u32 v22, $0x270F;
	_ =	sdelay $0x4  }
0x105: {  	v23 =	vld.idx.msk [tilespmem:v22+s20+$0x0], $0xffff;
	_ =	sdelay $0x4  }
0x106: {  	v23 =	vsub.f32 $0.0e+00, v23;
	_ =	sdelay $0x1  }
0x107: {  	v23 =	vmul.f32 $1.442695020e+00, v23;
	_ =	sdelay $0x1  }
0x108: {  	(erf) = vpow2.f32 v23;
	_ =	sdelay $0x8  }
0x109: {  	v23 =	vpop (erf)  }
0x10a: {  	v24 =	vld.idx.msk [tilespmem:v22+s18+$0x0], $0xffff;
	v23 =	vadd.f32 $1.000000000e+00, v23;
	_ =	sdelay $0x1  }
0x10b: {  	(erf) = vrcp.f32 v23;
	_ =	sdelay $0x1  }
0x10c: {  	v21 =	vadd.s32 $0x7, v21  }
0x10d: {  	vm12 =	vlt.s32 v21, $0xF;
	vm3 =	vgt.s32 v20, $0x7;
	v61 =	vld.idx.msk [tilespmem:v22+s3+$0x0], $0xffff  }
0x10e: {  	v21 =	vnsel vm12, $0xF, v21  }
0x10f: {  	v62 =	vld.idx.msk [tilespmem:v22+s19+$0x0], $0xffff  }
0x110: {  	v25 =	vld.idx.msk [tilespmem:v24+s21+$0x0], $0xffff;
	_ =	sdelay $0x1  }
0x111: {  	vm13 =	veq.s32 v61, v19  }
0x112: {  	vm14 =	veq.s32 v61, v18;
	v18 =	vadd.s32 v0, v22;
	vm4 =	vmand vm3, vm13;
	[tilespmem:v21+s28+$0x0] =	vst.idx.msk vm3, v24;
	v19 =	vpop (erf)  }
0x113: {  	vm15 =	vmand vm3, vm14;
	[tilespmem:v21+s29+$0x0] =	vst.idx.msk vm3, v18;
	v63 =	vnsel vm4, $0x0, v19  }
0x114: {  	v18 =	vsub.f32 v62, v25;
	v19 =	vnsel vm15, $0x0, v19;
	[tilespmem:v21+s30+$0x0] =	vst.idx.msk vm3, v63  }
0x115: {  	[tilespmem:v21+s31+$0x0] =	vst.idx.msk vm3, v19  }
0x116: {  	[tilespmem:v21+s1+$0x0] =	vst.idx.msk vm3, v18  }
0x117: {  	[hbm4b:s11+s3] =	stream.linear.scatter [tilespmem:s28], [sflag:$0x1], $0x10, $0x38;
	[tilespmem:$0xC460] =	vst v63  }
0x118: {  	_ =	swait.ge [sflag:s17], $0x10  }
0x119: {  	[sflag:s17] =	ssyncset.done $0x0  }
0x11a: {  	[sflag:s17] =	ssyncadd.s32 $0xFFFFFFF0  }
0x11b: {  	[hbm4b:s12+s3] =	stream.linear.scatter [tilespmem:s29], [sflag:$0x1], $0x10, $0x38;
	[tilespmem:$0xC460] =	vst v63  }
0x11c: {  	_ =	swait.ge [sflag:s17], $0x10  }
0x11d: {  	[sflag:s17] =	ssyncset.done $0x0  }
0x11e: {  	[sflag:s17] =	ssyncadd.s32 $0xFFFFFFF0  }
0x11f: {  	[hbm4b:s13+s3] =	stream.linear.scatter [tilespmem:s30], [sflag:$0x1], $0x10, $0x38;
	[tilespmem:$0xC460] =	vst v63  }
0x120: {  	_ =	swait.ge [sflag:s17], $0x10  }
0x121: {  	[sflag:s17] =	ssyncset.done $0x0  }
0x122: {  	[sflag:s17] =	ssyncadd.s32 $0xFFFFFFF0  }
0x123: {  	[hbm4b:s14+s3] =	stream.linear.scatter [tilespmem:s31], [sflag:$0x1], $0x10, $0x38;
	[tilespmem:$0xC460] =	vst v63  }
0x124: {  	s0 =	sadd.s32 $0x1, s0;
	_ =	swait.ge [sflag:s17], $0x10  }
0x125: {  	p0 =	sne.s32 s0, s16;
	[sflag:s17] =	ssyncset.done $0x0  }
.Ltmp1:
0x126: {  	[sflag:s17] =	ssyncadd.s32 $0xFFFFFFF0;
	(pc) =	sbr.rel @p0 .LBB2_1-.Ltmp1, $4  }
0x127: {  	[hbm4b:s15+s3] =	stream.linear.scatter [tilespmem:s1], [sflag:$0x1], $0x10, $0x38;
	[tilespmem:$0xC460] =	vst v63  }
0x128: {  	_ =	swait.ge [sflag:s17], $0x10  }
0x129: {  	[sflag:s17] =	ssyncset.done $0x0  }
0x12a: {  	[sflag:s17] =	ssyncadd.s32 $0xFFFFFFF0  }
0x12b: {  	_ =	sfence.sel $0x180000  }
0x12c: {  	[bflag:$0x0] =	sbarrier.arrive $0xFFFF  }
0x12d: {  	_ =	strace $0x90000047  }
0x12e: {  	s0 =	stileid.u32;
	[bflag:$0x2] =	sbarrier.arrive $0xFFFF  }
0x12f: {  	p0 =	sne.s32 s0, $0x0;
	s0 =	rddreg [dreg:$0x4]  }
0x130: {  	s0 =	sadd.s32 @!p0 $0x100000, s0  }
0x131: {  	[sflag:s0] =	ssyncadd.tile.s32 @!p0 $0x1;
	_ =	shalt  }
.Lfunc_end2:
_tile_overlayer_lowered:
.L_overlay_start_2:
0x132: {  	(tag) =	ssettag $0x2  }
0x133: {  	s0 =	rddreg [dreg:$0x0];
	s2 =	stileid.u32  }
0x134: {  	s1 =	rddreg [dreg:$0x1];
	p0 =	sne.s32 s2, $0x0  }
0x135: {  	s3 =	rddreg [dreg:$0x2];
	[bflag:$0x3] =	sbarrier.arrive $0xFFFF;
	s2 =	simm.s32 @!p0 $0x1C01  }
0x136: {  	[timem:s3], [sflag:s2] =	dma.local @!p0 [hbm:s0], s1  }
0x137: {  	s0 =	simm.s32 @!p0 $0x1  }
0x138: {  	_ =	swait.ge @!p0 [sflag:s0], s1  }
0x139: {  	s1 =	ssub.s32 @!p0 $0x0, s1;
	[sflag:s0] =	ssyncset.done @!p0 $0x0  }
0x13a: {  	[sflag:s0] =	ssyncadd.s32 @!p0 s1  }
0x13b: {  	[bflag:$0x3] =	sbarrier.arrive $0xFFFF  }
0x13c: {  	_ =	shalt  }

</sc_bundles>
